<compile_context>
chip_gen: v7x
topology: tpu7x:2x2x1
jax: 0.10.2.dev20260603
libtpu: 0.0.44.dev20260713+nightly
codegen_flags: <defaults>
</compile_context>

<pallas_src>
import functools

import jax
import jax.numpy as jnp
from jax import lax
from jax.experimental import pallas as pl
from jax.experimental.pallas import tpu as pltpu
from jax.experimental.pallas import tpu_sc as plsc

N = 10000
C = 128
OUT = 128
K = 32
E = N * K

NC, NS, L = 2, 16, 16
NW = NC * NS
NPAD = 10240
NPW = NPAD // NW

CE = 768
NCHUNK = -(-E // CE)
EPAD = NCHUNK * CE
GB = 16
MS = ((CE + GB - 1) // GB + 1) * GB
NEG = -3.0e38

FB = OUT // L
BN = 1024



def _g_body(xt_ref, w_ref, g_ref):
    xb = xt_ref[...]
    w2 = w_ref[C:, :]
    g_ref[...] = lax.dot_general(
        xb, w2, (((0,), (0,)), ((), ())), preferred_element_type=jnp.float32)


def _run_g(xt, w):
    return pl.pallas_call(
        _g_body,
        grid=(NPAD // BN,),
        in_specs=[
            pl.BlockSpec((C, BN), lambda i: (0, i)),
            pl.BlockSpec((2 * C, OUT), lambda i: (0, 0)),
        ],
        out_specs=pl.BlockSpec((BN, OUT), lambda i: (i, 0)),
        out_shape=jax.ShapeDtypeStruct((NPAD, OUT), jnp.float32),
    )(xt, w)




def _make_sc_segmax():
    mesh = plsc.VectorSubcoreMesh(
        core_axis_name="c", subcore_axis_name="s",
        num_cores=NC, num_subcores=NS)

    @functools.partial(
        pl.kernel,
        out_type=jax.ShapeDtypeStruct((NPAD * OUT,), jnp.float32),
        mesh=mesh,
        scratch_types=[
            pltpu.VMEM((NPW * OUT,), jnp.float32),
            pltpu.VMEM((2, CE), jnp.int32),
            pltpu.VMEM((2, CE), jnp.int32),
            pltpu.VMEM((MS,), jnp.int32),
            pltpu.VMEM((MS,), jnp.int32),
            pltpu.VMEM((2, GB, OUT), jnp.float32),
            pltpu.VMEM_SHARED((N, OUT), jnp.float32),
            pltpu.SemaphoreType.DMA,
            pltpu.SemaphoreType.DMA,
            pltpu.SemaphoreType.DMA,
            pltpu.SemaphoreType.DMA,
        ],
        compiler_params=pltpu.CompilerParams(needs_layout_passes=False),
    )
    def sc_segmax(src_hbm, dst_hbm, g_hbm, m_hbm,
                  m_v, src_v, dst_v, msrc_v, mdst_v, rows_v, gsp,
                  sem_a, sem_b, sem_c, sem_d):
        cid = lax.axis_index("c")
        sid = lax.axis_index("s")
        wid = sid * NC + cid
        base = wid * NPW

        @pl.when(sid < NS - 1)
        def _():
            pltpu.sync_copy(g_hbm.at[pl.ds(sid * 640, 640), :],
                            gsp.at[pl.ds(sid * 640, 640), :])

        @pl.when(sid == NS - 1)
        def _():
            pltpu.sync_copy(g_hbm.at[pl.ds(9600, 400), :],
                            gsp.at[pl.ds(9600, 400), :])
        plsc.subcore_barrier()

        neg = jnp.full((L,), NEG, jnp.float32)
        zero_i = jnp.zeros((L,), jnp.int32)
        lanes = jnp.arange(L, dtype=jnp.int32)
        fidx = [lanes + f * L for f in range(FB)]

        def init_m(r, carry):
            for f in range(FB):
                m_v[pl.ds(r * OUT + f * L, L)] = neg
            return carry
        lax.fori_loop(0, NPW, init_m, 0)

        def init_idx(i, carry):
            msrc_v[pl.ds(i * L, L)] = zero_i
            mdst_v[pl.ds(i * L, L)] = zero_i
            return carry
        lax.fori_loop(0, MS // L, init_idx, 0)

        def start_chunk(ci, buf, sa):
            pltpu.make_async_copy(
                src_hbm.at[pl.ds(ci * CE, CE)], src_v.at[buf], sa).start()
            pltpu.make_async_copy(
                dst_hbm.at[pl.ds(ci * CE, CE)], dst_v.at[buf], sa).start()

        def wait_chunk(ci, buf, sa):
            pltpu.make_async_copy(
                src_hbm.at[pl.ds(ci * CE, CE)], src_v.at[buf], sa).wait()
            pltpu.make_async_copy(
                dst_hbm.at[pl.ds(ci * CE, CE)], dst_v.at[buf], sa).wait()

        def start_bat(bi, buf, sa):
            pltpu.make_async_copy(
                gsp.at[msrc_v.at[pl.ds(bi * GB, GB)]], rows_v.at[buf], sa
            ).start()

        def wait_bat(bi, buf, sa):
            pltpu.make_async_copy(
                gsp.at[msrc_v.at[pl.ds(bi * GB, GB)]], rows_v.at[buf], sa
            ).wait()

        start_chunk(0, 0, sem_a)

        def chunk_body(ci, carry):
            p = jnp.bitwise_and(ci, 1)
            nxt = ci + 1

            @pl.when(jnp.logical_and(nxt < NCHUNK, p == 1))
            def _():
                start_chunk(nxt, 0, sem_a)

            @pl.when(jnp.logical_and(nxt < NCHUNK, p == 0))
            def _():
                start_chunk(nxt, 1, sem_b)

            @pl.when(p == 0)
            def _():
                wait_chunk(ci, 0, sem_a)

            @pl.when(p == 1)
            def _():
                wait_chunk(ci, 1, sem_b)

            def scan_body(i, cnt):
                ds_ = [dst_v[p, pl.ds((4 * i + k) * L, L)] for k in range(4)]
                ss = [src_v[p, pl.ds((4 * i + k) * L, L)] for k in range(4)]
                dls = [d - base for d in ds_]
                mks = [(dl >= 0) & (dl < NPW) for dl in dls]
                cs = [plsc.cumsum(mk.astype(jnp.int32)) for mk in mks]
                run = cnt
                for k in range(4):
                    pos = run + cs[k] - 1
                    plsc.store_scatter(msrc_v, [pos], ss[k], mask=mks[k])
                    plsc.store_scatter(mdst_v, [pos], dls[k], mask=mks[k])
                    run = run + cs[k][15]
                return run

            cnt = lax.fori_loop(0, CE // (4 * L), scan_body, jnp.int32(0))
            nbat = (cnt + GB - 1) // GB

            @pl.when(nbat > 0)
            def _():
                start_bat(0, 0, sem_c)

            def bat_body(bi, carry2):
                pb = jnp.bitwise_and(bi, 1)
                nb = bi + 1

                @pl.when(jnp.logical_and(nb < nbat, pb == 1))
                def _():
                    start_bat(nb, 0, sem_c)

                @pl.when(jnp.logical_and(nb < nbat, pb == 0))
                def _():
                    start_bat(nb, 1, sem_d)

                @pl.when(pb == 0)
                def _():
                    wait_bat(bi, 0, sem_c)

                @pl.when(pb == 1)
                def _():
                    wait_bat(bi, 1, sem_d)

                nloc = jnp.minimum(cnt - bi * GB, GB)

                def edge_body(j2, carry3):
                    j0 = 2 * j2
                    j1 = 2 * j2 + 1
                    e0 = bi * GB + j0
                    dlo0 = plsc.load_gather(
                        mdst_v, [jnp.full((L,), e0, jnp.int32)])
                    dlo1 = plsc.load_gather(
                        mdst_v, [jnp.full((L,), e0 + 1, jnp.int32)])
                    ok1 = jnp.full((L,), j1 < nloc)
                    ab0 = dlo0 * OUT
                    ab1 = dlo1 * OUT
                    for f in range(FB):
                        a0 = ab0 + fidx[f]
                        a1 = ab1 + fidx[f]
                        m0 = plsc.load_gather(m_v, [a0])
                        r0 = rows_v[pb, j0, pl.ds(f * L, L)]
                        plsc.store_scatter(m_v, [a0], jnp.maximum(m0, r0))
                        m1 = plsc.load_gather(m_v, [a1])
                        r1 = rows_v[pb, j1, pl.ds(f * L, L)]
                        plsc.store_scatter(
                            m_v, [a1], jnp.maximum(m1, r1), mask=ok1)
                    return carry3

                lax.fori_loop(0, (nloc + 1) // 2, edge_body, 0)
                return carry2

            lax.fori_loop(0, nbat, bat_body, 0)
            return carry

        lax.fori_loop(0, NCHUNK, chunk_body, 0)

        pltpu.sync_copy(m_v, m_hbm.at[pl.ds(base * OUT, NPW * OUT)])

    return sc_segmax


_sc_segmax = _make_sc_segmax()




def _ep_body(xt_ref, w_ref, b_ref, m_ref, o_ref):
    xb = xt_ref[...]
    w1m = w_ref[:C, :] - w_ref[C:, :]
    a = lax.dot_general(
        xb, w1m, (((0,), (0,)), ((), ())), preferred_element_type=jnp.float32)
    o_ref[...] = jnp.maximum(a + b_ref[...] + m_ref[...], 0.0)


def _run_epilogue(xt, w, b2, m):
    return pl.pallas_call(
        _ep_body,
        grid=(NPAD // BN,),
        in_specs=[
            pl.BlockSpec((C, BN), lambda i: (0, i)),
            pl.BlockSpec((2 * C, OUT), lambda i: (0, 0)),
            pl.BlockSpec((1, OUT), lambda i: (0, 0)),
            pl.BlockSpec((BN, OUT), lambda i: (i, 0)),
        ],
        out_specs=pl.BlockSpec((BN, OUT), lambda i: (i, 0)),
        out_shape=jax.ShapeDtypeStruct((NPAD, OUT), jnp.float32),
    )(xt, w, b2, m)




def kernel(x, edge_index, W, b):
    xt = x[0, :, :, 0]
    xt = jnp.pad(xt, ((0, 0), (0, NPAD - N)))
    ei = edge_index.reshape(2, E).astype(jnp.int32)
    src = jnp.pad(ei[0], (0, EPAD - E))
    dst = jnp.pad(ei[1], (0, EPAD - E), constant_values=jnp.int32(1 << 30))
    w = W.astype(jnp.float32)
    b2 = b.astype(jnp.float32)[None, :]

    g = _run_g(xt, w)
    m = _sc_segmax(src, dst, g[:N]).reshape(NPAD, OUT)
    out = _run_epilogue(xt, w, b2, m)
    return out[:N].T[None, :, :, None]

# --- scband reference (transcript-rebuilt; emitter-appended) ---
"""Pipeline reference for scband-graph-conv2d-18236431139306 (READ-ONLY COPY).

The authoritative reference and input builder live on the scoring server;
editing this copy changes nothing except your own understanding.
"""

import jax, jax.numpy as jnp
import numpy as np

B, C, N, K = 1, 128, 10000, 32
OUT = 128

def setup_inputs(seed: int = 0) -> dict:
    key = jax.random.key(seed)
    k1, k2, k3, k4 = jax.random.split(key, 4)
    x = jax.random.normal(k1, (B, C, N, 1), dtype=jnp.float32)
    edge_index = jax.random.randint(k2, (2, B, N, K), 0, N, dtype=jnp.int64)
    # BasicLayer([2*C, OUT], act='relu', bias=True) -> Linear(2C, OUT) + ReLU
    W = jax.random.normal(k3, (2 * C, OUT), dtype=jnp.float32) * (1.0 / np.sqrt(2 * C))
    b = jax.random.normal(k4, (OUT,), dtype=jnp.float32) * 0.01
    return {"x": x, "edge_index": edge_index, "W": W, "b": b}

def reference(x, edge_index, W, b):
    Bx, Cx, Nx, _ = x.shape
    # [B, C, N, 1] -> [B*N, C]
    xf = jnp.transpose(x[..., 0], (0, 2, 1)).reshape(Bx * Nx, Cx)
    # convert_idx_to_edge_index: flatten [2, B, N, k] -> [2, B*N*k] with per-batch node offsets
    ei = edge_index.reshape(2, Bx, Nx * edge_index.shape[-1])
    offsets = (jnp.arange(Bx, dtype=edge_index.dtype) * Nx)[None, :, None]
    ei = (ei + offsets).reshape(2, -1)
    src = ei[0]  # neighbor j
    dst = ei[1]  # center i
    # EdgeConv message: nn(concat[x_i, x_j - x_i])
    x_i = jnp.take(xf, dst, axis=0)
    x_j = jnp.take(xf, src, axis=0)
    msg = jnp.concatenate([x_i, x_j - x_i], axis=-1)
    h = jax.nn.relu(msg @ W + b)
    # aggr='max' scatter-max onto center nodes (zeros fill for empty segments, matches PyG fill; h >= 0 after ReLU)
    out = jnp.zeros((Bx * Nx, W.shape[1]), dtype=h.dtype).at[dst].max(h)
    # [B*N, OUT] -> [B, OUT, N, 1]
    out = jnp.transpose(out.reshape(Bx, Nx, -1), (0, 2, 1))[..., None]
    return out

if __name__ == "__main__":
    import jax
    _d = setup_inputs()
    print(jax.jit(kernel)(*tuple(_d.values())))

</pallas_src>

<mosaic_0001>
#map = affine_map<(d0, d1) -> (0)>
#map1 = affine_map<(d0, d1) -> (0, 0)>
module attributes {stable_mosaic.version = 14 : i64} {
  func.func @sc_segmax(%arg0: i32, %arg1: i32, %arg2: memref<320256xi32, #tpu.memory_space<hbm>>, %arg3: memref<320256xi32, #tpu.memory_space<hbm>>, %arg4: memref<10000x128xf32, #tpu.memory_space<hbm>>, %arg5: memref<1310720xf32, #tpu.memory_space<hbm>>, %arg6: memref<40960xf32, #tpu.memory_space<vmem>>, %arg7: memref<2x768xi32, #tpu.memory_space<vmem>>, %arg8: memref<2x768xi32, #tpu.memory_space<vmem>>, %arg9: memref<784xi32, #tpu.memory_space<vmem>>, %arg10: memref<784xi32, #tpu.memory_space<vmem>>, %arg11: memref<2x16x128xf32, #tpu.memory_space<vmem>>, %arg12: memref<10000x128xf32, #tpu.memory_space<vmem_shared>>, %arg13: memref<!tpu.dma_semaphore, #tpu.memory_space<semaphore_mem>>, %arg14: memref<!tpu.dma_semaphore, #tpu.memory_space<semaphore_mem>>, %arg15: memref<!tpu.dma_semaphore, #tpu.memory_space<semaphore_mem>>, %arg16: memref<!tpu.dma_semaphore, #tpu.memory_space<semaphore_mem>>) attributes {dimension_semantics = [#tpu.dimension_semantics<core_parallel>, #tpu.dimension_semantics<subcore_parallel>], iteration_bounds = array<i64: 2, 16>, scalar_prefetch = 0 : i64, scratch_operands = 11 : i64, tpu.core_type = #tpu.core_type<sc_vector_subcore>, window_params = [{transform_indices = #map}, {transform_indices = #map}, {transform_indices = #map1}, {transform_indices = #map}]} {
    %mul3A = arith.constant 2 : i32
    %mul3A_0 = arith.muli %arg1, %mul3A : i32
    %add3A = arith.addi %mul3A_0, %arg0 : i32
    %mul3A_1 = arith.constant 320 : i32
    %mul3A_2 = arith.muli %add3A, %mul3A_1 : i32
    %lt3A = arith.constant 15 : i32
    %lt3A_3 = arith.cmpi slt, %arg1, %lt3A : i32
    %convert_element_type3A = arith.extui %lt3A_3 : i1 to i32
    %cond3A = arith.constant 0 : i32
    %cond3A_4 = arith.cmpi ne, %convert_element_type3A, %cond3A : i32
    scf.if %cond3A_4 {
      %mul3A_76 = arith.constant 640 : i32
      %mul3A_77 = arith.muli %arg1, %mul3A_76 : i32
      %mul3A_78 = arith.constant 640 : i32
      %mul3A_79 = arith.muli %arg1, %mul3A_78 : i32
      "tpu.region"() ({
        %run_scoped3A = tpu.sem_alloc : memref<!tpu.dma_semaphore, #tpu.memory_space<semaphore_mem>>
        %dma_start3A_80 = arith.constant 0 : i32
        %dma_start3A_81 = tpu.memref_slice %arg12[%mul3A_79, %dma_start3A_80] : memref<10000x128xf32, #tpu.memory_space<vmem_shared>> -> memref<640x128xf32, #tpu.memory_space<vmem_shared>>
        %dma_start3A_82 = arith.constant 0 : i32
        %dma_start3A_83 = tpu.memref_slice %arg4[%mul3A_77, %dma_start3A_82] : memref<10000x128xf32, #tpu.memory_space<hbm>> -> memref<640x128xf32, #tpu.memory_space<hbm>>
        tpu.enqueue_dma source(%dma_start3A_83 : memref<640x128xf32, #tpu.memory_space<hbm>>) target(%dma_start3A_81 : memref<640x128xf32, #tpu.memory_space<vmem_shared>>) target_semaphore(%run_scoped3A : memref<!tpu.dma_semaphore, #tpu.memory_space<semaphore_mem>>)
        %dma_wait3A = arith.constant 0 : i32
        %dma_wait3A_84 = tpu.memref_slice %arg12[%mul3A_79, %dma_wait3A] : memref<10000x128xf32, #tpu.memory_space<vmem_shared>> -> memref<640x128xf32, #tpu.memory_space<vmem_shared>>
        %dma_wait3A_85 = arith.constant 0 : i32
        %dma_wait3A_86 = tpu.memref_slice %arg4[%mul3A_77, %dma_wait3A_85] : memref<10000x128xf32, #tpu.memory_space<hbm>> -> memref<640x128xf32, #tpu.memory_space<hbm>>
        tpu.wait_dma2 semaphore(%run_scoped3A : memref<!tpu.dma_semaphore, #tpu.memory_space<semaphore_mem>>) src(%dma_wait3A_86 : memref<640x128xf32, #tpu.memory_space<hbm>>) dst(%dma_wait3A_84 : memref<640x128xf32, #tpu.memory_space<vmem_shared>>)
        tpu.yield
      }) : () -> ()
    } else {
    }
    %eq3A = arith.constant 15 : i32
    %eq3A_5 = arith.cmpi eq, %arg1, %eq3A : i32
    %convert_element_type3A_6 = arith.extui %eq3A_5 : i1 to i32
    %cond3A_7 = arith.constant 0 : i32
    %cond3A_8 = arith.cmpi ne, %convert_element_type3A_6, %cond3A_7 : i32
    scf.if %cond3A_8 {
      "tpu.region"() ({
        %run_scoped3A = tpu.sem_alloc : memref<!tpu.dma_semaphore, #tpu.memory_space<semaphore_mem>>
        %dma_start3A_76 = arith.constant 9600 : i32
        %dma_start3A_77 = arith.constant 0 : i32
        %dma_start3A_78 = tpu.memref_slice %arg12[%dma_start3A_76, %dma_start3A_77] : memref<10000x128xf32, #tpu.memory_space<vmem_shared>> -> memref<400x128xf32, #tpu.memory_space<vmem_shared>>
        %dma_start3A_79 = arith.constant 9600 : i32
        %dma_start3A_80 = arith.constant 0 : i32
        %dma_start3A_81 = tpu.memref_slice %arg4[%dma_start3A_79, %dma_start3A_80] : memref<10000x128xf32, #tpu.memory_space<hbm>> -> memref<400x128xf32, #tpu.memory_space<hbm>>
        tpu.enqueue_dma source(%dma_start3A_81 : memref<400x128xf32, #tpu.memory_space<hbm>>) target(%dma_start3A_78 : memref<400x128xf32, #tpu.memory_space<vmem_shared>>) target_semaphore(%run_scoped3A : memref<!tpu.dma_semaphore, #tpu.memory_space<semaphore_mem>>)
        %dma_wait3A = arith.constant 9600 : i32
        %dma_wait3A_82 = arith.constant 0 : i32
        %dma_wait3A_83 = tpu.memref_slice %arg12[%dma_wait3A, %dma_wait3A_82] : memref<10000x128xf32, #tpu.memory_space<vmem_shared>> -> memref<400x128xf32, #tpu.memory_space<vmem_shared>>
        %dma_wait3A_84 = arith.constant 9600 : i32
        %dma_wait3A_85 = arith.constant 0 : i32
        %dma_wait3A_86 = tpu.memref_slice %arg4[%dma_wait3A_84, %dma_wait3A_85] : memref<10000x128xf32, #tpu.memory_space<hbm>> -> memref<400x128xf32, #tpu.memory_space<hbm>>
        tpu.wait_dma2 semaphore(%run_scoped3A : memref<!tpu.dma_semaphore, #tpu.memory_space<semaphore_mem>>) src(%dma_wait3A_86 : memref<400x128xf32, #tpu.memory_space<hbm>>) dst(%dma_wait3A_83 : memref<400x128xf32, #tpu.memory_space<vmem_shared>>)
        tpu.yield
      }) : () -> ()
    } else {
    }
    %barrier3A = arith.constant 0 : index
    tpu.barrier barrier_id(%barrier3A)
    %broadcast_in_dim3A = arith.constant -3.000000e+38 : f32
    %broadcast_in_dim3A_9 = vector.broadcast %broadcast_in_dim3A : f32 to vector<16xf32>
    %broadcast_in_dim3A_10 = arith.constant 0 : i32
    %broadcast_in_dim3A_11 = vector.broadcast %broadcast_in_dim3A_10 : i32 to vector<16xi32>
    %iota3A = tpu.iota {dimensions = array<i32: 0>} : vector<16xi32>
    %add3A_12 = arith.constant 0 : i32
    %add3A_13 = vector.broadcast %add3A_12 : i32 to vector<16xi32>
    %add3A_14 = arith.addi %iota3A, %add3A_13 : vector<16xi32>
    %add3A_15 = arith.constant 16 : i32
    %add3A_16 = vector.broadcast %add3A_15 : i32 to vector<16xi32>
    %add3A_17 = arith.addi %iota3A, %add3A_16 : vector<16xi32>
    %add3A_18 = arith.constant 32 : i32
    %add3A_19 = vector.broadcast %add3A_18 : i32 to vector<16xi32>
    %add3A_20 = arith.addi %iota3A, %add3A_19 : vector<16xi32>
    %add3A_21 = arith.constant 48 : i32
    %add3A_22 = vector.broadcast %add3A_21 : i32 to vector<16xi32>
    %add3A_23 = arith.addi %iota3A, %add3A_22 : vector<16xi32>
    %add3A_24 = arith.constant 64 : i32
    %add3A_25 = vector.broadcast %add3A_24 : i32 to vector<16xi32>
    %add3A_26 = arith.addi %iota3A, %add3A_25 : vector<16xi32>
    %add3A_27 = arith.constant 80 : i32
    %add3A_28 = vector.broadcast %add3A_27 : i32 to vector<16xi32>
    %add3A_29 = arith.addi %iota3A, %add3A_28 : vector<16xi32>
    %add3A_30 = arith.constant 96 : i32
    %add3A_31 = vector.broadcast %add3A_30 : i32 to vector<16xi32>
    %add3A_32 = arith.addi %iota3A, %add3A_31 : vector<16xi32>
    %add3A_33 = arith.constant 112 : i32
    %add3A_34 = vector.broadcast %add3A_33 : i32 to vector<16xi32>
    %add3A_35 = arith.addi %iota3A, %add3A_34 : vector<16xi32>
    %scan3A = arith.constant 0 : i32
    %scan3A_36 = arith.constant 0 : i32
    %scan3A_37 = arith.constant 320 : i32
    %scan3A_38 = arith.addi %scan3A_36, %scan3A_37 : i32
    %scan3A_39 = arith.constant 1 : i32
    scf.for %scan3A_76 = %scan3A_36 to %scan3A_38 step %scan3A_39  : i32 {
      %mul3A_77 = arith.constant 128 : i32
      %mul3A_78 = arith.muli %scan3A_76, %mul3A_77 : i32
      %add3A_79 = arith.constant 0 : i32
      %add3A_80 = arith.addi %mul3A_78, %add3A_79 : i32
      %swap3A = arith.index_cast %add3A_80 : i32 to index
      %swap3A_81 = tpu.vector_load %arg6[%swap3A] {strides = array<i32>} : memref<40960xf32, #tpu.memory_space<vmem>>, vector<16xf32>,
      tpu.vector_store %arg6[%swap3A], %broadcast_in_dim3A_9 {strides = array<i32>} : memref<40960xf32, #tpu.memory_space<vmem>>, vector<16xf32>,
      %mul3A_82 = arith.constant 128 : i32
      %mul3A_83 = arith.muli %scan3A_76, %mul3A_82 : i32
      %add3A_84 = arith.constant 16 : i32
      %add3A_85 = arith.addi %mul3A_83, %add3A_84 : i32
      %swap3A_86 = arith.index_cast %add3A_85 : i32 to index
      %swap3A_87 = tpu.vector_load %arg6[%swap3A_86] {strides = array<i32>} : memref<40960xf32, #tpu.memory_space<vmem>>, vector<16xf32>,
      tpu.vector_store %arg6[%swap3A_86], %broadcast_in_dim3A_9 {strides = array<i32>} : memref<40960xf32, #tpu.memory_space<vmem>>, vector<16xf32>,
      %mul3A_88 = arith.constant 128 : i32
      %mul3A_89 = arith.muli %scan3A_76, %mul3A_88 : i32
      %add3A_90 = arith.constant 32 : i32
      %add3A_91 = arith.addi %mul3A_89, %add3A_90 : i32
      %swap3A_92 = arith.index_cast %add3A_91 : i32 to index
      %swap3A_93 = tpu.vector_load %arg6[%swap3A_92] {strides = array<i32>} : memref<40960xf32, #tpu.memory_space<vmem>>, vector<16xf32>,
      tpu.vector_store %arg6[%swap3A_92], %broadcast_in_dim3A_9 {strides = array<i32>} : memref<40960xf32, #tpu.memory_space<vmem>>, vector<16xf32>,
      %mul3A_94 = arith.constant 128 : i32
      %mul3A_95 = arith.muli %scan3A_76, %mul3A_94 : i32
      %add3A_96 = arith.constant 48 : i32
      %add3A_97 = arith.addi %mul3A_95, %add3A_96 : i32
      %swap3A_98 = arith.index_cast %add3A_97 : i32 to index
      %swap3A_99 = tpu.vector_load %arg6[%swap3A_98] {strides = array<i32>} : memref<40960xf32, #tpu.memory_space<vmem>>, vector<16xf32>,
      tpu.vector_store %arg6[%swap3A_98], %broadcast_in_dim3A_9 {strides = array<i32>} : memref<40960xf32, #tpu.memory_space<vmem>>, vector<16xf32>,
      %mul3A_100 = arith.constant 128 : i32
      %mul3A_101 = arith.muli %scan3A_76, %mul3A_100 : i32
      %add3A_102 = arith.constant 64 : i32
      %add3A_103 = arith.addi %mul3A_101, %add3A_102 : i32
      %swap3A_104 = arith.index_cast %add3A_103 : i32 to index
      %swap3A_105 = tpu.vector_load %arg6[%swap3A_104] {strides = array<i32>} : memref<40960xf32, #tpu.memory_space<vmem>>, vector<16xf32>,
      tpu.vector_store %arg6[%swap3A_104], %broadcast_in_dim3A_9 {strides = array<i32>} : memref<40960xf32, #tpu.memory_space<vmem>>, vector<16xf32>,
      %mul3A_106 = arith.constant 128 : i32
      %mul3A_107 = arith.muli %scan3A_76, %mul3A_106 : i32
      %add3A_108 = arith.constant 80 : i32
      %add3A_109 = arith.addi %mul3A_107, %add3A_108 : i32
      %swap3A_110 = arith.index_cast %add3A_109 : i32 to index
      %swap3A_111 = tpu.vector_load %arg6[%swap3A_110] {strides = array<i32>} : memref<40960xf32, #tpu.memory_space<vmem>>, vector<16xf32>,
      tpu.vector_store %arg6[%swap3A_110], %broadcast_in_dim3A_9 {strides = array<i32>} : memref<40960xf32, #tpu.memory_space<vmem>>, vector<16xf32>,
      %mul3A_112 = arith.constant 128 : i32
      %mul3A_113 = arith.muli %scan3A_76, %mul3A_112 : i32
      %add3A_114 = arith.constant 96 : i32
      %add3A_115 = arith.addi %mul3A_113, %add3A_114 : i32
      %swap3A_116 = arith.index_cast %add3A_115 : i32 to index
      %swap3A_117 = tpu.vector_load %arg6[%swap3A_116] {strides = array<i32>} : memref<40960xf32, #tpu.memory_space<vmem>>, vector<16xf32>,
      tpu.vector_store %arg6[%swap3A_116], %broadcast_in_dim3A_9 {strides = array<i32>} : memref<40960xf32, #tpu.memory_space<vmem>>, vector<16xf32>,
      %mul3A_118 = arith.constant 128 : i32
      %mul3A_119 = arith.muli %scan3A_76, %mul3A_118 : i32
      %add3A_120 = arith.constant 112 : i32
      %add3A_121 = arith.addi %mul3A_119, %add3A_120 : i32
      %swap3A_122 = arith.index_cast %add3A_121 : i32 to index
      %swap3A_123 = tpu.vector_load %arg6[%swap3A_122] {strides = array<i32>} : memref<40960xf32, #tpu.memory_space<vmem>>, vector<16xf32>,
      tpu.vector_store %arg6[%swap3A_122], %broadcast_in_dim3A_9 {strides = array<i32>} : memref<40960xf32, #tpu.memory_space<vmem>>, vector<16xf32>,
    }
    %scan3A_40 = arith.constant 320 : i32
    %scan3A_41 = arith.constant 0 : i32
    %scan3A_42 = arith.constant 0 : i32
    %scan3A_43 = arith.constant 49 : i32
    %scan3A_44 = arith.addi %scan3A_42, %scan3A_43 : i32
    %scan3A_45 = arith.constant 1 : i32
    scf.for %scan3A_76 = %scan3A_42 to %scan3A_44 step %scan3A_45  : i32 {
      %mul3A_77 = arith.constant 16 : i32
      %mul3A_78 = arith.muli %scan3A_76, %mul3A_77 : i32
      %swap3A = arith.index_cast %mul3A_78 : i32 to index
      %swap3A_79 = tpu.vector_load %arg9[%swap3A] {strides = array<i32>} : memref<784xi32, #tpu.memory_space<vmem>>, vector<16xi32>,
      tpu.vector_store %arg9[%swap3A], %broadcast_in_dim3A_11 {strides = array<i32>} : memref<784xi32, #tpu.memory_space<vmem>>, vector<16xi32>,
      %mul3A_80 = arith.constant 16 : i32
      %mul3A_81 = arith.muli %scan3A_76, %mul3A_80 : i32
      %swap3A_82 = arith.index_cast %mul3A_81 : i32 to index
      %swap3A_83 = tpu.vector_load %arg10[%swap3A_82] {strides = array<i32>} : memref<784xi32, #tpu.memory_space<vmem>>, vector<16xi32>,
      tpu.vector_store %arg10[%swap3A_82], %broadcast_in_dim3A_11 {strides = array<i32>} : memref<784xi32, #tpu.memory_space<vmem>>, vector<16xi32>,
    }
    %scan3A_46 = arith.constant 49 : i32
    %dma_start3A = arith.constant 0 : i32
    %dma_start3A_47 = arith.constant 0 : i32
    %dma_start3A_48 = tpu.memref_slice %arg7[%dma_start3A, %dma_start3A_47] : memref<2x768xi32, #tpu.memory_space<vmem>> -> memref<1x768xi32, #tpu.memory_space<vmem>>
    %dma_start3A_49 = tpu.memref_squeeze %dma_start3A_48 : memref<1x768xi32, #tpu.memory_space<vmem>> -> memref<768xi32, #tpu.memory_space<vmem>>
    %dma_start3A_50 = arith.constant 0 : i32
    %dma_start3A_51 = tpu.memref_slice %arg2[%dma_start3A_50] : memref<320256xi32, #tpu.memory_space<hbm>> -> memref<768xi32, #tpu.memory_space<hbm>>
    %dma_start3A_52 = arith.constant 0 : i32
    %dma_start3A_53 = tpu.memref_slice %arg7[%dma_start3A, %dma_start3A_52] : memref<2x768xi32, #tpu.memory_space<vmem>> -> memref<1x768xi32, #tpu.memory_space<vmem>>
    %dma_start3A_54 = tpu.memref_squeeze %dma_start3A_53 : memref<1x768xi32, #tpu.memory_space<vmem>> -> memref<768xi32, #tpu.memory_space<vmem>>
    %dma_start3A_55 = arith.constant 0 : i32
    %dma_start3A_56 = tpu.memref_slice %arg2[%dma_start3A_55] : memref<320256xi32, #tpu.memory_space<hbm>> -> memref<768xi32, #tpu.memory_space<hbm>>
    tpu.enqueue_dma source(%dma_start3A_56 : memref<768xi32, #tpu.memory_space<hbm>>) target(%dma_start3A_54 : memref<768xi32, #tpu.memory_space<vmem>>) target_semaphore(%arg13 : memref<!tpu.dma_semaphore, #tpu.memory_space<semaphore_mem>>)
    %dma_start3A_57 = arith.constant 0 : i32
    %dma_start3A_58 = arith.constant 0 : i32
    %dma_start3A_59 = tpu.memref_slice %arg8[%dma_start3A_57, %dma_start3A_58] : memref<2x768xi32, #tpu.memory_space<vmem>> -> memref<1x768xi32, #tpu.memory_space<vmem>>
    %dma_start3A_60 = tpu.memref_squeeze %dma_start3A_59 : memref<1x768xi32, #tpu.memory_space<vmem>> -> memref<768xi32, #tpu.memory_space<vmem>>
    %dma_start3A_61 = arith.constant 0 : i32
    %dma_start3A_62 = tpu.memref_slice %arg3[%dma_start3A_61] : memref<320256xi32, #tpu.memory_space<hbm>> -> memref<768xi32, #tpu.memory_space<hbm>>
    %dma_start3A_63 = arith.constant 0 : i32
    %dma_start3A_64 = tpu.memref_slice %arg8[%dma_start3A_57, %dma_start3A_63] : memref<2x768xi32, #tpu.memory_space<vmem>> -> memref<1x768xi32, #tpu.memory_space<vmem>>
    %dma_start3A_65 = tpu.memref_squeeze %dma_start3A_64 : memref<1x768xi32, #tpu.memory_space<vmem>> -> memref<768xi32, #tpu.memory_space<vmem>>
    %dma_start3A_66 = arith.constant 0 : i32
    %dma_start3A_67 = tpu.memref_slice %arg3[%dma_start3A_66] : memref<320256xi32, #tpu.memory_space<hbm>> -> memref<768xi32, #tpu.memory_space<hbm>>
    tpu.enqueue_dma source(%dma_start3A_67 : memref<768xi32, #tpu.memory_space<hbm>>) target(%dma_start3A_65 : memref<768xi32, #tpu.memory_space<vmem>>) target_semaphore(%arg13 : memref<!tpu.dma_semaphore, #tpu.memory_space<semaphore_mem>>)
    %scan3A_68 = arith.constant 0 : i32
    %scan3A_69 = arith.constant 0 : i32
    %scan3A_70 = arith.constant 417 : i32
    %scan3A_71 = arith.addi %scan3A_69, %scan3A_70 : i32
    %scan3A_72 = arith.constant 1 : i32
    scf.for %scan3A_76 = %scan3A_69 to %scan3A_71 step %scan3A_72  : i32 {
      %and3A = arith.constant 1 : i32
      %and3A_77 = arith.andi %scan3A_76, %and3A : i32
      %add3A_78 = arith.constant 1 : i32
      %add3A_79 = arith.addi %scan3A_76, %add3A_78 : i32
      %lt3A_80 = arith.constant 417 : i32
      %lt3A_81 = arith.cmpi slt, %add3A_79, %lt3A_80 : i32
      %eq3A_82 = arith.constant 1 : i32
      %eq3A_83 = arith.cmpi eq, %and3A_77, %eq3A_82 : i32
      %and3A_84 = arith.andi %lt3A_81, %eq3A_83 : i1
      %convert_element_type3A_85 = arith.extui %and3A_84 : i1 to i32
      %cond3A_86 = arith.constant 0 : i32
      %cond3A_87 = arith.cmpi ne, %convert_element_type3A_85, %cond3A_86 : i32
      scf.if %cond3A_87 {
        %mul3A_147 = arith.constant 768 : i32
        %mul3A_148 = arith.muli %add3A_79, %mul3A_147 : i32
        %dma_start3A_149 = arith.constant 0 : i32
        %dma_start3A_150 = arith.constant 0 : i32
        %dma_start3A_151 = tpu.memref_slice %arg7[%dma_start3A_149, %dma_start3A_150] : memref<2x768xi32, #tpu.memory_space<vmem>> -> memref<1x768xi32, #tpu.memory_space<vmem>>
        %dma_start3A_152 = tpu.memref_squeeze %dma_start3A_151 : memref<1x768xi32, #tpu.memory_space<vmem>> -> memref<768xi32, #tpu.memory_space<vmem>>
        %dma_start3A_153 = tpu.memref_slice %arg2[%mul3A_148] : memref<320256xi32, #tpu.memory_space<hbm>> -> memref<768xi32, #tpu.memory_space<hbm>>
        %dma_start3A_154 = arith.constant 0 : i32
        %dma_start3A_155 = tpu.memref_slice %arg7[%dma_start3A_149, %dma_start3A_154] : memref<2x768xi32, #tpu.memory_space<vmem>> -> memref<1x768xi32, #tpu.memory_space<vmem>>
        %dma_start3A_156 = tpu.memref_squeeze %dma_start3A_155 : memref<1x768xi32, #tpu.memory_space<vmem>> -> memref<768xi32, #tpu.memory_space<vmem>>
        %dma_start3A_157 = tpu.memref_slice %arg2[%mul3A_148] : memref<320256xi32, #tpu.memory_space<hbm>> -> memref<768xi32, #tpu.memory_space<hbm>>
        tpu.enqueue_dma source(%dma_start3A_157 : memref<768xi32, #tpu.memory_space<hbm>>) target(%dma_start3A_156 : memref<768xi32, #tpu.memory_space<vmem>>) target_semaphore(%arg13 : memref<!tpu.dma_semaphore, #tpu.memory_space<semaphore_mem>>)
        %mul3A_158 = arith.constant 768 : i32
        %mul3A_159 = arith.muli %add3A_79, %mul3A_158 : i32
        %dma_start3A_160 = arith.constant 0 : i32
        %dma_start3A_161 = arith.constant 0 : i32
        %dma_start3A_162 = tpu.memref_slice %arg8[%dma_start3A_160, %dma_start3A_161] : memref<2x768xi32, #tpu.memory_space<vmem>> -> memref<1x768xi32, #tpu.memory_space<vmem>>
        %dma_start3A_163 = tpu.memref_squeeze %dma_start3A_162 : memref<1x768xi32, #tpu.memory_space<vmem>> -> memref<768xi32, #tpu.memory_space<vmem>>
        %dma_start3A_164 = tpu.memref_slice %arg3[%mul3A_159] : memref<320256xi32, #tpu.memory_space<hbm>> -> memref<768xi32, #tpu.memory_space<hbm>>
        %dma_start3A_165 = arith.constant 0 : i32
        %dma_start3A_166 = tpu.memref_slice %arg8[%dma_start3A_160, %dma_start3A_165] : memref<2x768xi32, #tpu.memory_space<vmem>> -> memref<1x768xi32, #tpu.memory_space<vmem>>
        %dma_start3A_167 = tpu.memref_squeeze %dma_start3A_166 : memref<1x768xi32, #tpu.memory_space<vmem>> -> memref<768xi32, #tpu.memory_space<vmem>>
        %dma_start3A_168 = tpu.memref_slice %arg3[%mul3A_159] : memref<320256xi32, #tpu.memory_space<hbm>> -> memref<768xi32, #tpu.memory_space<hbm>>
        tpu.enqueue_dma source(%dma_start3A_168 : memref<768xi32, #tpu.memory_space<hbm>>) target(%dma_start3A_167 : memref<768xi32, #tpu.memory_space<vmem>>) target_semaphore(%arg13 : memref<!tpu.dma_semaphore, #tpu.memory_space<semaphore_mem>>)
      } else {
      }
      %lt3A_88 = arith.constant 417 : i32
      %lt3A_89 = arith.cmpi slt, %add3A_79, %lt3A_88 : i32
      %eq3A_90 = arith.constant 0 : i32
      %eq3A_91 = arith.cmpi eq, %and3A_77, %eq3A_90 : i32
      %and3A_92 = arith.andi %lt3A_89, %eq3A_91 : i1
      %convert_element_type3A_93 = arith.extui %and3A_92 : i1 to i32
      %cond3A_94 = arith.constant 0 : i32
      %cond3A_95 = arith.cmpi ne, %convert_element_type3A_93, %cond3A_94 : i32
      scf.if %cond3A_95 {
        %mul3A_147 = arith.constant 768 : i32
        %mul3A_148 = arith.muli %add3A_79, %mul3A_147 : i32
        %dma_start3A_149 = arith.constant 1 : i32
        %dma_start3A_150 = arith.constant 0 : i32
        %dma_start3A_151 = tpu.memref_slice %arg7[%dma_start3A_149, %dma_start3A_150] : memref<2x768xi32, #tpu.memory_space<vmem>> -> memref<1x768xi32, #tpu.memory_space<vmem>>
        %dma_start3A_152 = tpu.memref_squeeze %dma_start3A_151 : memref<1x768xi32, #tpu.memory_space<vmem>> -> memref<768xi32, #tpu.memory_space<vmem>>
        %dma_start3A_153 = tpu.memref_slice %arg2[%mul3A_148] : memref<320256xi32, #tpu.memory_space<hbm>> -> memref<768xi32, #tpu.memory_space<hbm>>
        %dma_start3A_154 = arith.constant 0 : i32
        %dma_start3A_155 = tpu.memref_slice %arg7[%dma_start3A_149, %dma_start3A_154] : memref<2x768xi32, #tpu.memory_space<vmem>> -> memref<1x768xi32, #tpu.memory_space<vmem>>
        %dma_start3A_156 = tpu.memref_squeeze %dma_start3A_155 : memref<1x768xi32, #tpu.memory_space<vmem>> -> memref<768xi32, #tpu.memory_space<vmem>>
        %dma_start3A_157 = tpu.memref_slice %arg2[%mul3A_148] : memref<320256xi32, #tpu.memory_space<hbm>> -> memref<768xi32, #tpu.memory_space<hbm>>
        tpu.enqueue_dma source(%dma_start3A_157 : memref<768xi32, #tpu.memory_space<hbm>>) target(%dma_start3A_156 : memref<768xi32, #tpu.memory_space<vmem>>) target_semaphore(%arg14 : memref<!tpu.dma_semaphore, #tpu.memory_space<semaphore_mem>>)
        %mul3A_158 = arith.constant 768 : i32
        %mul3A_159 = arith.muli %add3A_79, %mul3A_158 : i32
        %dma_start3A_160 = arith.constant 1 : i32
        %dma_start3A_161 = arith.constant 0 : i32
        %dma_start3A_162 = tpu.memref_slice %arg8[%dma_start3A_160, %dma_start3A_161] : memref<2x768xi32, #tpu.memory_space<vmem>> -> memref<1x768xi32, #tpu.memory_space<vmem>>
        %dma_start3A_163 = tpu.memref_squeeze %dma_start3A_162 : memref<1x768xi32, #tpu.memory_space<vmem>> -> memref<768xi32, #tpu.memory_space<vmem>>
        %dma_start3A_164 = tpu.memref_slice %arg3[%mul3A_159] : memref<320256xi32, #tpu.memory_space<hbm>> -> memref<768xi32, #tpu.memory_space<hbm>>
        %dma_start3A_165 = arith.constant 0 : i32
        %dma_start3A_166 = tpu.memref_slice %arg8[%dma_start3A_160, %dma_start3A_165] : memref<2x768xi32, #tpu.memory_space<vmem>> -> memref<1x768xi32, #tpu.memory_space<vmem>>
        %dma_start3A_167 = tpu.memref_squeeze %dma_start3A_166 : memref<1x768xi32, #tpu.memory_space<vmem>> -> memref<768xi32, #tpu.memory_space<vmem>>
        %dma_start3A_168 = tpu.memref_slice %arg3[%mul3A_159] : memref<320256xi32, #tpu.memory_space<hbm>> -> memref<768xi32, #tpu.memory_space<hbm>>
        tpu.enqueue_dma source(%dma_start3A_168 : memref<768xi32, #tpu.memory_space<hbm>>) target(%dma_start3A_167 : memref<768xi32, #tpu.memory_space<vmem>>) target_semaphore(%arg14 : memref<!tpu.dma_semaphore, #tpu.memory_space<semaphore_mem>>)
      } else {
      }
      %eq3A_96 = arith.constant 0 : i32
      %eq3A_97 = arith.cmpi eq, %and3A_77, %eq3A_96 : i32
      %convert_element_type3A_98 = arith.extui %eq3A_97 : i1 to i32
      %cond3A_99 = arith.constant 0 : i32
      %cond3A_100 = arith.cmpi ne, %convert_element_type3A_98, %cond3A_99 : i32
      scf.if %cond3A_100 {
        %mul3A_147 = arith.constant 768 : i32
        %mul3A_148 = arith.muli %scan3A_76, %mul3A_147 : i32
        %dma_wait3A = arith.constant 0 : i32
        %dma_wait3A_149 = arith.constant 0 : i32
        %dma_wait3A_150 = tpu.memref_slice %arg7[%dma_wait3A, %dma_wait3A_149] : memref<2x768xi32, #tpu.memory_space<vmem>> -> memref<1x768xi32, #tpu.memory_space<vmem>>
        %dma_wait3A_151 = tpu.memref_squeeze %dma_wait3A_150 : memref<1x768xi32, #tpu.memory_space<vmem>> -> memref<768xi32, #tpu.memory_space<vmem>>
        %dma_wait3A_152 = tpu.memref_slice %arg2[%mul3A_148] : memref<320256xi32, #tpu.memory_space<hbm>> -> memref<768xi32, #tpu.memory_space<hbm>>
        %dma_wait3A_153 = arith.constant 0 : i32
        %dma_wait3A_154 = tpu.memref_slice %arg7[%dma_wait3A, %dma_wait3A_153] : memref<2x768xi32, #tpu.memory_space<vmem>> -> memref<1x768xi32, #tpu.memory_space<vmem>>
        %dma_wait3A_155 = tpu.memref_squeeze %dma_wait3A_154 : memref<1x768xi32, #tpu.memory_space<vmem>> -> memref<768xi32, #tpu.memory_space<vmem>>
        %dma_wait3A_156 = tpu.memref_slice %arg2[%mul3A_148] : memref<320256xi32, #tpu.memory_space<hbm>> -> memref<768xi32, #tpu.memory_space<hbm>>
        tpu.wait_dma2 semaphore(%arg13 : memref<!tpu.dma_semaphore, #tpu.memory_space<semaphore_mem>>) src(%dma_wait3A_156 : memref<768xi32, #tpu.memory_space<hbm>>) dst(%dma_wait3A_155 : memref<768xi32, #tpu.memory_space<vmem>>)
        %mul3A_157 = arith.constant 768 : i32
        %mul3A_158 = arith.muli %scan3A_76, %mul3A_157 : i32
        %dma_wait3A_159 = arith.constant 0 : i32
        %dma_wait3A_160 = arith.constant 0 : i32
        %dma_wait3A_161 = tpu.memref_slice %arg8[%dma_wait3A_159, %dma_wait3A_160] : memref<2x768xi32, #tpu.memory_space<vmem>> -> memref<1x768xi32, #tpu.memory_space<vmem>>
        %dma_wait3A_162 = tpu.memref_squeeze %dma_wait3A_161 : memref<1x768xi32, #tpu.memory_space<vmem>> -> memref<768xi32, #tpu.memory_space<vmem>>
        %dma_wait3A_163 = tpu.memref_slice %arg3[%mul3A_158] : memref<320256xi32, #tpu.memory_space<hbm>> -> memref<768xi32, #tpu.memory_space<hbm>>
        %dma_wait3A_164 = arith.constant 0 : i32
        %dma_wait3A_165 = tpu.memref_slice %arg8[%dma_wait3A_159, %dma_wait3A_164] : memref<2x768xi32, #tpu.memory_space<vmem>> -> memref<1x768xi32, #tpu.memory_space<vmem>>
        %dma_wait3A_166 = tpu.memref_squeeze %dma_wait3A_165 : memref<1x768xi32, #tpu.memory_space<vmem>> -> memref<768xi32, #tpu.memory_space<vmem>>
        %dma_wait3A_167 = tpu.memref_slice %arg3[%mul3A_158] : memref<320256xi32, #tpu.memory_space<hbm>> -> memref<768xi32, #tpu.memory_space<hbm>>
        tpu.wait_dma2 semaphore(%arg13 : memref<!tpu.dma_semaphore, #tpu.memory_space<semaphore_mem>>) src(%dma_wait3A_167 : memref<768xi32, #tpu.memory_space<hbm>>) dst(%dma_wait3A_166 : memref<768xi32, #tpu.memory_space<vmem>>)
      } else {
      }
      %eq3A_101 = arith.constant 1 : i32
      %eq3A_102 = arith.cmpi eq, %and3A_77, %eq3A_101 : i32
      %convert_element_type3A_103 = arith.extui %eq3A_102 : i1 to i32
      %cond3A_104 = arith.constant 0 : i32
      %cond3A_105 = arith.cmpi ne, %convert_element_type3A_103, %cond3A_104 : i32
      scf.if %cond3A_105 {
        %mul3A_147 = arith.constant 768 : i32
        %mul3A_148 = arith.muli %scan3A_76, %mul3A_147 : i32
        %dma_wait3A = arith.constant 1 : i32
        %dma_wait3A_149 = arith.constant 0 : i32
        %dma_wait3A_150 = tpu.memref_slice %arg7[%dma_wait3A, %dma_wait3A_149] : memref<2x768xi32, #tpu.memory_space<vmem>> -> memref<1x768xi32, #tpu.memory_space<vmem>>
        %dma_wait3A_151 = tpu.memref_squeeze %dma_wait3A_150 : memref<1x768xi32, #tpu.memory_space<vmem>> -> memref<768xi32, #tpu.memory_space<vmem>>
        %dma_wait3A_152 = tpu.memref_slice %arg2[%mul3A_148] : memref<320256xi32, #tpu.memory_space<hbm>> -> memref<768xi32, #tpu.memory_space<hbm>>
        %dma_wait3A_153 = arith.constant 0 : i32
        %dma_wait3A_154 = tpu.memref_slice %arg7[%dma_wait3A, %dma_wait3A_153] : memref<2x768xi32, #tpu.memory_space<vmem>> -> memref<1x768xi32, #tpu.memory_space<vmem>>
        %dma_wait3A_155 = tpu.memref_squeeze %dma_wait3A_154 : memref<1x768xi32, #tpu.memory_space<vmem>> -> memref<768xi32, #tpu.memory_space<vmem>>
        %dma_wait3A_156 = tpu.memref_slice %arg2[%mul3A_148] : memref<320256xi32, #tpu.memory_space<hbm>> -> memref<768xi32, #tpu.memory_space<hbm>>
        tpu.wait_dma2 semaphore(%arg14 : memref<!tpu.dma_semaphore, #tpu.memory_space<semaphore_mem>>) src(%dma_wait3A_156 : memref<768xi32, #tpu.memory_space<hbm>>) dst(%dma_wait3A_155 : memref<768xi32, #tpu.memory_space<vmem>>)
        %mul3A_157 = arith.constant 768 : i32
        %mul3A_158 = arith.muli %scan3A_76, %mul3A_157 : i32
        %dma_wait3A_159 = arith.constant 1 : i32
        %dma_wait3A_160 = arith.constant 0 : i32
        %dma_wait3A_161 = tpu.memref_slice %arg8[%dma_wait3A_159, %dma_wait3A_160] : memref<2x768xi32, #tpu.memory_space<vmem>> -> memref<1x768xi32, #tpu.memory_space<vmem>>
        %dma_wait3A_162 = tpu.memref_squeeze %dma_wait3A_161 : memref<1x768xi32, #tpu.memory_space<vmem>> -> memref<768xi32, #tpu.memory_space<vmem>>
        %dma_wait3A_163 = tpu.memref_slice %arg3[%mul3A_158] : memref<320256xi32, #tpu.memory_space<hbm>> -> memref<768xi32, #tpu.memory_space<hbm>>
        %dma_wait3A_164 = arith.constant 0 : i32
        %dma_wait3A_165 = tpu.memref_slice %arg8[%dma_wait3A_159, %dma_wait3A_164] : memref<2x768xi32, #tpu.memory_space<vmem>> -> memref<1x768xi32, #tpu.memory_space<vmem>>
        %dma_wait3A_166 = tpu.memref_squeeze %dma_wait3A_165 : memref<1x768xi32, #tpu.memory_space<vmem>> -> memref<768xi32, #tpu.memory_space<vmem>>
        %dma_wait3A_167 = tpu.memref_slice %arg3[%mul3A_158] : memref<320256xi32, #tpu.memory_space<hbm>> -> memref<768xi32, #tpu.memory_space<hbm>>
        tpu.wait_dma2 semaphore(%arg14 : memref<!tpu.dma_semaphore, #tpu.memory_space<semaphore_mem>>) src(%dma_wait3A_167 : memref<768xi32, #tpu.memory_space<hbm>>) dst(%dma_wait3A_166 : memref<768xi32, #tpu.memory_space<vmem>>)
      } else {
      }
      %scan3A_106 = arith.constant 0 : i32
      %scan3A_107 = arith.constant 0 : i32
      %scan3A_108 = arith.constant 12 : i32
      %scan3A_109 = arith.addi %scan3A_107, %scan3A_108 : i32
      %scan3A_110 = arith.constant 1 : i32
      %scan3A_111 = scf.for %scan3A_147 = %scan3A_107 to %scan3A_109 step %scan3A_110 iter_args(%scan3A_148 = %scan3A_106) -> (i32)  : i32 {
        %mul3A_149 = arith.constant 4 : i32
        %mul3A_150 = arith.muli %mul3A_149, %scan3A_147 : i32
        %add3A_151 = arith.constant 0 : i32
        %add3A_152 = arith.addi %mul3A_150, %add3A_151 : i32
        %mul3A_153 = arith.constant 16 : i32
        %mul3A_154 = arith.muli %add3A_152, %mul3A_153 : i32
        %get3A = arith.index_cast %and3A_77 : i32 to index
        %get3A_155 = arith.index_cast %mul3A_154 : i32 to index
        %get3A_156 = tpu.vector_load %arg8[%get3A, %get3A_155] {strides = array<i32>} : memref<2x768xi32, #tpu.memory_space<vmem>>, vector<16xi32>,
        %mul3A_157 = arith.constant 4 : i32
        %mul3A_158 = arith.muli %mul3A_157, %scan3A_147 : i32
        %add3A_159 = arith.constant 1 : i32
        %add3A_160 = arith.addi %mul3A_158, %add3A_159 : i32
        %mul3A_161 = arith.constant 16 : i32
        %mul3A_162 = arith.muli %add3A_160, %mul3A_161 : i32
        %get3A_163 = arith.index_cast %and3A_77 : i32 to index
        %get3A_164 = arith.index_cast %mul3A_162 : i32 to index
        %get3A_165 = tpu.vector_load %arg8[%get3A_163, %get3A_164] {strides = array<i32>} : memref<2x768xi32, #tpu.memory_space<vmem>>, vector<16xi32>,
        %mul3A_166 = arith.constant 4 : i32
        %mul3A_167 = arith.muli %mul3A_166, %scan3A_147 : i32
        %add3A_168 = arith.constant 2 : i32
        %add3A_169 = arith.addi %mul3A_167, %add3A_168 : i32
        %mul3A_170 = arith.constant 16 : i32
        %mul3A_171 = arith.muli %add3A_169, %mul3A_170 : i32
        %get3A_172 = arith.index_cast %and3A_77 : i32 to index
        %get3A_173 = arith.index_cast %mul3A_171 : i32 to index
        %get3A_174 = tpu.vector_load %arg8[%get3A_172, %get3A_173] {strides = array<i32>} : memref<2x768xi32, #tpu.memory_space<vmem>>, vector<16xi32>,
        %mul3A_175 = arith.constant 4 : i32
        %mul3A_176 = arith.muli %mul3A_175, %scan3A_147 : i32
        %add3A_177 = arith.constant 3 : i32
        %add3A_178 = arith.addi %mul3A_176, %add3A_177 : i32
        %mul3A_179 = arith.constant 16 : i32
        %mul3A_180 = arith.muli %add3A_178, %mul3A_179 : i32
        %get3A_181 = arith.index_cast %and3A_77 : i32 to index
        %get3A_182 = arith.index_cast %mul3A_180 : i32 to index
        %get3A_183 = tpu.vector_load %arg8[%get3A_181, %get3A_182] {strides = array<i32>} : memref<2x768xi32, #tpu.memory_space<vmem>>, vector<16xi32>,
        %mul3A_184 = arith.constant 4 : i32
        %mul3A_185 = arith.muli %mul3A_184, %scan3A_147 : i32
        %add3A_186 = arith.constant 0 : i32
        %add3A_187 = arith.addi %mul3A_185, %add3A_186 : i32
        %mul3A_188 = arith.constant 16 : i32
        %mul3A_189 = arith.muli %add3A_187, %mul3A_188 : i32
        %get3A_190 = arith.index_cast %and3A_77 : i32 to index
        %get3A_191 = arith.index_cast %mul3A_189 : i32 to index
        %get3A_192 = tpu.vector_load %arg7[%get3A_190, %get3A_191] {strides = array<i32>} : memref<2x768xi32, #tpu.memory_space<vmem>>, vector<16xi32>,
        %mul3A_193 = arith.constant 4 : i32
        %mul3A_194 = arith.muli %mul3A_193, %scan3A_147 : i32
        %add3A_195 = arith.constant 1 : i32
        %add3A_196 = arith.addi %mul3A_194, %add3A_195 : i32
        %mul3A_197 = arith.constant 16 : i32
        %mul3A_198 = arith.muli %add3A_196, %mul3A_197 : i32
        %get3A_199 = arith.index_cast %and3A_77 : i32 to index
        %get3A_200 = arith.index_cast %mul3A_198 : i32 to index
        %get3A_201 = tpu.vector_load %arg7[%get3A_199, %get3A_200] {strides = array<i32>} : memref<2x768xi32, #tpu.memory_space<vmem>>, vector<16xi32>,
        %mul3A_202 = arith.constant 4 : i32
        %mul3A_203 = arith.muli %mul3A_202, %scan3A_147 : i32
        %add3A_204 = arith.constant 2 : i32
        %add3A_205 = arith.addi %mul3A_203, %add3A_204 : i32
        %mul3A_206 = arith.constant 16 : i32
        %mul3A_207 = arith.muli %add3A_205, %mul3A_206 : i32
        %get3A_208 = arith.index_cast %and3A_77 : i32 to index
        %get3A_209 = arith.index_cast %mul3A_207 : i32 to index
        %get3A_210 = tpu.vector_load %arg7[%get3A_208, %get3A_209] {strides = array<i32>} : memref<2x768xi32, #tpu.memory_space<vmem>>, vector<16xi32>,
        %mul3A_211 = arith.constant 4 : i32
        %mul3A_212 = arith.muli %mul3A_211, %scan3A_147 : i32
        %add3A_213 = arith.constant 3 : i32
        %add3A_214 = arith.addi %mul3A_212, %add3A_213 : i32
        %mul3A_215 = arith.constant 16 : i32
        %mul3A_216 = arith.muli %add3A_214, %mul3A_215 : i32
        %get3A_217 = arith.index_cast %and3A_77 : i32 to index
        %get3A_218 = arith.index_cast %mul3A_216 : i32 to index
        %get3A_219 = tpu.vector_load %arg7[%get3A_217, %get3A_218] {strides = array<i32>} : memref<2x768xi32, #tpu.memory_space<vmem>>, vector<16xi32>,
        %sub3A_220 = vector.broadcast %mul3A_2 : i32 to vector<16xi32>
        %sub3A_221 = arith.subi %get3A_156, %sub3A_220 : vector<16xi32>
        %sub3A_222 = vector.broadcast %mul3A_2 : i32 to vector<16xi32>
        %sub3A_223 = arith.subi %get3A_165, %sub3A_222 : vector<16xi32>
        %sub3A_224 = vector.broadcast %mul3A_2 : i32 to vector<16xi32>
        %sub3A_225 = arith.subi %get3A_174, %sub3A_224 : vector<16xi32>
        %sub3A_226 = vector.broadcast %mul3A_2 : i32 to vector<16xi32>
        %sub3A_227 = arith.subi %get3A_183, %sub3A_226 : vector<16xi32>
        %ge3A = arith.constant 0 : i32
        %ge3A_228 = vector.broadcast %ge3A : i32 to vector<16xi32>
        %ge3A_229 = arith.cmpi sge, %sub3A_221, %ge3A_228 : vector<16xi32>
        %lt3A_230 = arith.constant 320 : i32
        %lt3A_231 = vector.broadcast %lt3A_230 : i32 to vector<16xi32>
        %lt3A_232 = arith.cmpi slt, %sub3A_221, %lt3A_231 : vector<16xi32>
        %and3A_233 = arith.andi %ge3A_229, %lt3A_232 : vector<16xi1>
        %ge3A_234 = arith.constant 0 : i32
        %ge3A_235 = vector.broadcast %ge3A_234 : i32 to vector<16xi32>
        %ge3A_236 = arith.cmpi sge, %sub3A_223, %ge3A_235 : vector<16xi32>
        %lt3A_237 = arith.constant 320 : i32
        %lt3A_238 = vector.broadcast %lt3A_237 : i32 to vector<16xi32>
        %lt3A_239 = arith.cmpi slt, %sub3A_223, %lt3A_238 : vector<16xi32>
        %and3A_240 = arith.andi %ge3A_236, %lt3A_239 : vector<16xi1>
        %ge3A_241 = arith.constant 0 : i32
        %ge3A_242 = vector.broadcast %ge3A_241 : i32 to vector<16xi32>
        %ge3A_243 = arith.cmpi sge, %sub3A_225, %ge3A_242 : vector<16xi32>
        %lt3A_244 = arith.constant 320 : i32
        %lt3A_245 = vector.broadcast %lt3A_244 : i32 to vector<16xi32>
        %lt3A_246 = arith.cmpi slt, %sub3A_225, %lt3A_245 : vector<16xi32>
        %and3A_247 = arith.andi %ge3A_243, %lt3A_246 : vector<16xi1>
        %ge3A_248 = arith.constant 0 : i32
        %ge3A_249 = vector.broadcast %ge3A_248 : i32 to vector<16xi32>
        %ge3A_250 = arith.cmpi sge, %sub3A_227, %ge3A_249 : vector<16xi32>
        %lt3A_251 = arith.constant 320 : i32
        %lt3A_252 = vector.broadcast %lt3A_251 : i32 to vector<16xi32>
        %lt3A_253 = arith.cmpi slt, %sub3A_227, %lt3A_252 : vector<16xi32>
        %and3A_254 = arith.andi %ge3A_250, %lt3A_253 : vector<16xi1>
        %convert_element_type3A_255 = arith.extui %and3A_233 : vector<16xi1> to vector<16xi32>
        %broadcast_in_dim3A_256 = arith.constant true
        %broadcast_in_dim3A_257 = vector.broadcast %broadcast_in_dim3A_256 : i1 to vector<16xi1>
        %masked_cumsum3A = tpu.scan <sum>, %convert_element_type3A_255 masked %broadcast_in_dim3A_257 : vector<16xi32>, vector<16xi1> -> vector<16xi32>
        %convert_element_type3A_258 = arith.extui %and3A_240 : vector<16xi1> to vector<16xi32>
        %broadcast_in_dim3A_259 = arith.constant true
        %broadcast_in_dim3A_260 = vector.broadcast %broadcast_in_dim3A_259 : i1 to vector<16xi1>
        %masked_cumsum3A_261 = tpu.scan <sum>, %convert_element_type3A_258 masked %broadcast_in_dim3A_260 : vector<16xi32>, vector<16xi1> -> vector<16xi32>
        %convert_element_type3A_262 = arith.extui %and3A_247 : vector<16xi1> to vector<16xi32>
        %broadcast_in_dim3A_263 = arith.constant true
        %broadcast_in_dim3A_264 = vector.broadcast %broadcast_in_dim3A_263 : i1 to vector<16xi1>
        %masked_cumsum3A_265 = tpu.scan <sum>, %convert_element_type3A_262 masked %broadcast_in_dim3A_264 : vector<16xi32>, vector<16xi1> -> vector<16xi32>
        %convert_element_type3A_266 = arith.extui %and3A_254 : vector<16xi1> to vector<16xi32>
        %broadcast_in_dim3A_267 = arith.constant true
        %broadcast_in_dim3A_268 = vector.broadcast %broadcast_in_dim3A_267 : i1 to vector<16xi1>
        %masked_cumsum3A_269 = tpu.scan <sum>, %convert_element_type3A_266 masked %broadcast_in_dim3A_268 : vector<16xi32>, vector<16xi1> -> vector<16xi32>
        %add3A_270 = vector.broadcast %scan3A_148 : i32 to vector<16xi32>
        %add3A_271 = arith.addi %add3A_270, %masked_cumsum3A : vector<16xi32>
        %sub3A_272 = arith.constant 1 : i32
        %sub3A_273 = vector.broadcast %sub3A_272 : i32 to vector<16xi32>
        %sub3A_274 = arith.subi %add3A_271, %sub3A_273 : vector<16xi32>
        tpu.vector_store_idx %arg9[%sub3A_274], %get3A_192 masked %and3A_233 : memref<784xi32, #tpu.memory_space<vmem>>[vector<16xi32>], vector<16xi32>, vector<16xi1>
        tpu.vector_store_idx %arg10[%sub3A_274], %sub3A_221 masked %and3A_233 : memref<784xi32, #tpu.memory_space<vmem>>[vector<16xi32>], vector<16xi32>, vector<16xi1>
        %slice3A = vector.extract_strided_slice %masked_cumsum3A {offsets = [15], sizes = [1], strides = [1]} : vector<16xi32> to vector<1xi32>
        %squeeze3A = vector.extract %slice3A[0] : i32 from vector<1xi32>
        %add3A_275 = arith.addi %scan3A_148, %squeeze3A : i32
        %add3A_276 = vector.broadcast %add3A_275 : i32 to vector<16xi32>
        %add3A_277 = arith.addi %add3A_276, %masked_cumsum3A_261 : vector<16xi32>
        %sub3A_278 = arith.constant 1 : i32
        %sub3A_279 = vector.broadcast %sub3A_278 : i32 to vector<16xi32>
        %sub3A_280 = arith.subi %add3A_277, %sub3A_279 : vector<16xi32>
        tpu.vector_store_idx %arg9[%sub3A_280], %get3A_201 masked %and3A_240 : memref<784xi32, #tpu.memory_space<vmem>>[vector<16xi32>], vector<16xi32>, vector<16xi1>
        tpu.vector_store_idx %arg10[%sub3A_280], %sub3A_223 masked %and3A_240 : memref<784xi32, #tpu.memory_space<vmem>>[vector<16xi32>], vector<16xi32>, vector<16xi1>
        %slice3A_281 = vector.extract_strided_slice %masked_cumsum3A_261 {offsets = [15], sizes = [1], strides = [1]} : vector<16xi32> to vector<1xi32>
        %squeeze3A_282 = vector.extract %slice3A_281[0] : i32 from vector<1xi32>
        %add3A_283 = arith.addi %add3A_275, %squeeze3A_282 : i32
        %add3A_284 = vector.broadcast %add3A_283 : i32 to vector<16xi32>
        %add3A_285 = arith.addi %add3A_284, %masked_cumsum3A_265 : vector<16xi32>
        %sub3A_286 = arith.constant 1 : i32
        %sub3A_287 = vector.broadcast %sub3A_286 : i32 to vector<16xi32>
        %sub3A_288 = arith.subi %add3A_285, %sub3A_287 : vector<16xi32>
        tpu.vector_store_idx %arg9[%sub3A_288], %get3A_210 masked %and3A_247 : memref<784xi32, #tpu.memory_space<vmem>>[vector<16xi32>], vector<16xi32>, vector<16xi1>
        tpu.vector_store_idx %arg10[%sub3A_288], %sub3A_225 masked %and3A_247 : memref<784xi32, #tpu.memory_space<vmem>>[vector<16xi32>], vector<16xi32>, vector<16xi1>
        %slice3A_289 = vector.extract_strided_slice %masked_cumsum3A_265 {offsets = [15], sizes = [1], strides = [1]} : vector<16xi32> to vector<1xi32>
        %squeeze3A_290 = vector.extract %slice3A_289[0] : i32 from vector<1xi32>
        %add3A_291 = arith.addi %add3A_283, %squeeze3A_290 : i32
        %add3A_292 = vector.broadcast %add3A_291 : i32 to vector<16xi32>
        %add3A_293 = arith.addi %add3A_292, %masked_cumsum3A_269 : vector<16xi32>
        %sub3A_294 = arith.constant 1 : i32
        %sub3A_295 = vector.broadcast %sub3A_294 : i32 to vector<16xi32>
        %sub3A_296 = arith.subi %add3A_293, %sub3A_295 : vector<16xi32>
        tpu.vector_store_idx %arg9[%sub3A_296], %get3A_219 masked %and3A_254 : memref<784xi32, #tpu.memory_space<vmem>>[vector<16xi32>], vector<16xi32>, vector<16xi1>
        tpu.vector_store_idx %arg10[%sub3A_296], %sub3A_227 masked %and3A_254 : memref<784xi32, #tpu.memory_space<vmem>>[vector<16xi32>], vector<16xi32>, vector<16xi1>
        %slice3A_297 = vector.extract_strided_slice %masked_cumsum3A_269 {offsets = [15], sizes = [1], strides = [1]} : vector<16xi32> to vector<1xi32>
        %squeeze3A_298 = vector.extract %slice3A_297[0] : i32 from vector<1xi32>
        %add3A_299 = arith.addi %add3A_291, %squeeze3A_298 : i32
        scf.yield %add3A_299 : i32
      }
      %scan3A_112 = arith.constant 12 : i32
      %add3A_113 = arith.constant 16 : i32
      %add3A_114 = arith.addi %scan3A_111, %add3A_113 : i32
      %sub3A = arith.constant 1 : i32
      %sub3A_115 = arith.subi %add3A_114, %sub3A : i32
      %jit3A = arith.constant 16 : i32
      %div3A = arith.divsi %sub3A_115, %jit3A : i32
      %sign3A = arith.constant 0 : i32
      %sign3A_116 = arith.cmpi sgt, %sub3A_115, %sign3A : i32
      %sign3A_117 = arith.extui %sign3A_116 : i1 to i32
      %sign3A_118 = arith.constant 0 : i32
      %sign3A_119 = arith.cmpi slt, %sub3A_115, %sign3A_118 : i32
      %sign3A_120 = arith.extui %sign3A_119 : i1 to i32
      %sign3A_121 = arith.subi %sign3A_117, %sign3A_120 : i32
      %sign3A_122 = arith.constant 0 : i32
      %sign3A_123 = arith.cmpi sgt, %jit3A, %sign3A_122 : i32
      %sign3A_124 = arith.extui %sign3A_123 : i1 to i32
      %sign3A_125 = arith.constant 0 : i32
      %sign3A_126 = arith.cmpi slt, %jit3A, %sign3A_125 : i32
      %sign3A_127 = arith.extui %sign3A_126 : i1 to i32
      %sign3A_128 = arith.subi %sign3A_124, %sign3A_127 : i32
      %ne3A = arith.cmpi ne, %sign3A_121, %sign3A_128 : i32
      %rem3A = arith.remsi %sub3A_115, %jit3A : i32
      %ne3A_129 = arith.constant 0 : i32
      %ne3A_130 = arith.cmpi ne, %rem3A, %ne3A_129 : i32
      %and3A_131 = arith.andi %ne3A, %ne3A_130 : i1
      %sub3A_132 = arith.constant 1 : i32
      %sub3A_133 = arith.subi %div3A, %sub3A_132 : i32
      %select_n3A = arith.select %and3A_131, %sub3A_133, %div3A : i32
      %gt3A = arith.constant 0 : i32
      %gt3A_134 = arith.cmpi sgt, %select_n3A, %gt3A : i32
      %convert_element_type3A_135 = arith.extui %gt3A_134 : i1 to i32
      %cond3A_136 = arith.constant 0 : i32
      %cond3A_137 = arith.cmpi ne, %convert_element_type3A_135, %cond3A_136 : i32
      scf.if %cond3A_137 {
        %dma_start3A_147 = arith.constant 0 : i32
        %dma_start3A_148 = arith.constant 0 : i32
        %dma_start3A_149 = arith.constant 0 : i32
        %dma_start3A_150 = tpu.memref_slice %arg11[%dma_start3A_147, %dma_start3A_148, %dma_start3A_149] : memref<2x16x128xf32, #tpu.memory_space<vmem>> -> memref<1x16x128xf32, #tpu.memory_space<vmem>>
        %dma_start3A_151 = tpu.memref_squeeze %dma_start3A_150 : memref<1x16x128xf32, #tpu.memory_space<vmem>> -> memref<16x128xf32, #tpu.memory_space<vmem>>
        %dma_start3A_152 = arith.constant 0 : i32
        %dma_start3A_153 = tpu.memref_slice %arg9[%dma_start3A_152] : memref<784xi32, #tpu.memory_space<vmem>> -> memref<16xi32, #tpu.memory_space<vmem>>
        %dma_start3A_154 = arith.constant 0 : i32
        %dma_start3A_155 = arith.constant 0 : i32
        %dma_start3A_156 = tpu.memref_slice %arg12[%dma_start3A_154, %dma_start3A_155] : memref<10000x128xf32, #tpu.memory_space<vmem_shared>> -> memref<10000x128xf32, #tpu.memory_space<vmem_shared>>
        tpu.enqueue_indirect_dma source(%dma_start3A_156 : memref<10000x128xf32, #tpu.memory_space<vmem_shared>>) target(%dma_start3A_151 : memref<16x128xf32, #tpu.memory_space<vmem>>) offsets(%dma_start3A_153 : memref<16xi32, #tpu.memory_space<vmem>>) semaphore(%arg15 : memref<!tpu.dma_semaphore, #tpu.memory_space<semaphore_mem>>)
      } else {
      }
      %while3A = arith.constant 0 : i32
      %while3A_138 = arith.constant 0 : i32
      %while3A_139 = arith.subi %select_n3A, %while3A_138 : i32
      %while3A_140 = arith.addi %while3A_138, %while3A_139 : i32
      %while3A_141 = arith.constant 1 : i32
      %while3A_142 = arith.divsi %while3A_139, %while3A_141 : i32
      %while3A_143 = arith.muli %while3A_142, %while3A_141 : i32
      %while3A_144 = arith.addi %while3A_138, %while3A_143 : i32
      %while3A_145 = arith.constant 1 : i32
      scf.for %while3A_147 = %while3A_138 to %while3A_144 step %while3A_145  : i32 {
        %and3A_148 = arith.constant 1 : i32
        %and3A_149 = arith.andi %while3A_147, %and3A_148 : i32
        %add3A_150 = arith.constant 1 : i32
        %add3A_151 = arith.addi %while3A_147, %add3A_150 : i32
        %lt3A_152 = arith.cmpi slt, %add3A_151, %select_n3A : i32
        %eq3A_153 = arith.constant 1 : i32
        %eq3A_154 = arith.cmpi eq, %and3A_149, %eq3A_153 : i32
        %and3A_155 = arith.andi %lt3A_152, %eq3A_154 : i1
        %convert_element_type3A_156 = arith.extui %and3A_155 : i1 to i32
        %cond3A_157 = arith.constant 0 : i32
        %cond3A_158 = arith.cmpi ne, %convert_element_type3A_156, %cond3A_157 : i32
        scf.if %cond3A_158 {
          %mul3A_216 = arith.constant 16 : i32
          %mul3A_217 = arith.muli %add3A_151, %mul3A_216 : i32
          %dma_start3A_218 = arith.constant 0 : i32
          %dma_start3A_219 = arith.constant 0 : i32
          %dma_start3A_220 = arith.constant 0 : i32
          %dma_start3A_221 = tpu.memref_slice %arg11[%dma_start3A_218, %dma_start3A_219, %dma_start3A_220] : memref<2x16x128xf32, #tpu.memory_space<vmem>> -> memref<1x16x128xf32, #tpu.memory_space<vmem>>
          %dma_start3A_222 = tpu.memref_squeeze %dma_start3A_221 : memref<1x16x128xf32, #tpu.memory_space<vmem>> -> memref<16x128xf32, #tpu.memory_space<vmem>>
          %dma_start3A_223 = tpu.memref_slice %arg9[%mul3A_217] : memref<784xi32, #tpu.memory_space<vmem>> -> memref<16xi32, #tpu.memory_space<vmem>>
          %dma_start3A_224 = arith.constant 0 : i32
          %dma_start3A_225 = arith.constant 0 : i32
          %dma_start3A_226 = tpu.memref_slice %arg12[%dma_start3A_224, %dma_start3A_225] : memref<10000x128xf32, #tpu.memory_space<vmem_shared>> -> memref<10000x128xf32, #tpu.memory_space<vmem_shared>>
          tpu.enqueue_indirect_dma source(%dma_start3A_226 : memref<10000x128xf32, #tpu.memory_space<vmem_shared>>) target(%dma_start3A_222 : memref<16x128xf32, #tpu.memory_space<vmem>>) offsets(%dma_start3A_223 : memref<16xi32, #tpu.memory_space<vmem>>) semaphore(%arg15 : memref<!tpu.dma_semaphore, #tpu.memory_space<semaphore_mem>>)
        } else {
        }
        %lt3A_159 = arith.cmpi slt, %add3A_151, %select_n3A : i32
        %eq3A_160 = arith.constant 0 : i32
        %eq3A_161 = arith.cmpi eq, %and3A_149, %eq3A_160 : i32
        %and3A_162 = arith.andi %lt3A_159, %eq3A_161 : i1
        %convert_element_type3A_163 = arith.extui %and3A_162 : i1 to i32
        %cond3A_164 = arith.constant 0 : i32
        %cond3A_165 = arith.cmpi ne, %convert_element_type3A_163, %cond3A_164 : i32
        scf.if %cond3A_165 {
          %mul3A_216 = arith.constant 16 : i32
          %mul3A_217 = arith.muli %add3A_151, %mul3A_216 : i32
          %dma_start3A_218 = arith.constant 1 : i32
          %dma_start3A_219 = arith.constant 0 : i32
          %dma_start3A_220 = arith.constant 0 : i32
          %dma_start3A_221 = tpu.memref_slice %arg11[%dma_start3A_218, %dma_start3A_219, %dma_start3A_220] : memref<2x16x128xf32, #tpu.memory_space<vmem>> -> memref<1x16x128xf32, #tpu.memory_space<vmem>>
          %dma_start3A_222 = tpu.memref_squeeze %dma_start3A_221 : memref<1x16x128xf32, #tpu.memory_space<vmem>> -> memref<16x128xf32, #tpu.memory_space<vmem>>
          %dma_start3A_223 = tpu.memref_slice %arg9[%mul3A_217] : memref<784xi32, #tpu.memory_space<vmem>> -> memref<16xi32, #tpu.memory_space<vmem>>
          %dma_start3A_224 = arith.constant 0 : i32
          %dma_start3A_225 = arith.constant 0 : i32
          %dma_start3A_226 = tpu.memref_slice %arg12[%dma_start3A_224, %dma_start3A_225] : memref<10000x128xf32, #tpu.memory_space<vmem_shared>> -> memref<10000x128xf32, #tpu.memory_space<vmem_shared>>
          tpu.enqueue_indirect_dma source(%dma_start3A_226 : memref<10000x128xf32, #tpu.memory_space<vmem_shared>>) target(%dma_start3A_222 : memref<16x128xf32, #tpu.memory_space<vmem>>) offsets(%dma_start3A_223 : memref<16xi32, #tpu.memory_space<vmem>>) semaphore(%arg16 : memref<!tpu.dma_semaphore, #tpu.memory_space<semaphore_mem>>)
        } else {
        }
        %eq3A_166 = arith.constant 0 : i32
        %eq3A_167 = arith.cmpi eq, %and3A_149, %eq3A_166 : i32
        %convert_element_type3A_168 = arith.extui %eq3A_167 : i1 to i32
        %cond3A_169 = arith.constant 0 : i32
        %cond3A_170 = arith.cmpi ne, %convert_element_type3A_168, %cond3A_169 : i32
        scf.if %cond3A_170 {
          %mul3A_216 = arith.constant 16 : i32
          %mul3A_217 = arith.muli %while3A_147, %mul3A_216 : i32
          %dma_wait3A = arith.constant 0 : i32
          %dma_wait3A_218 = arith.constant 0 : i32
          %dma_wait3A_219 = arith.constant 0 : i32
          %dma_wait3A_220 = tpu.memref_slice %arg11[%dma_wait3A, %dma_wait3A_218, %dma_wait3A_219] : memref<2x16x128xf32, #tpu.memory_space<vmem>> -> memref<1x16x128xf32, #tpu.memory_space<vmem>>
          %dma_wait3A_221 = tpu.memref_squeeze %dma_wait3A_220 : memref<1x16x128xf32, #tpu.memory_space<vmem>> -> memref<16x128xf32, #tpu.memory_space<vmem>>
          %dma_wait3A_222 = tpu.memref_slice %arg9[%mul3A_217] : memref<784xi32, #tpu.memory_space<vmem>> -> memref<16xi32, #tpu.memory_space<vmem>>
          %dma_wait3A_223 = arith.constant 0 : i32
          %dma_wait3A_224 = arith.constant 0 : i32
          %dma_wait3A_225 = tpu.memref_slice %arg12[%dma_wait3A_223, %dma_wait3A_224] : memref<10000x128xf32, #tpu.memory_space<vmem_shared>> -> memref<10000x128xf32, #tpu.memory_space<vmem_shared>>
          tpu.wait_indirect_dma semaphore(%arg15 : memref<!tpu.dma_semaphore, #tpu.memory_space<semaphore_mem>>) src(%dma_wait3A_225 : memref<10000x128xf32, #tpu.memory_space<vmem_shared>>) dst(%dma_wait3A_221 : memref<16x128xf32, #tpu.memory_space<vmem>>)
        } else {
        }
        %eq3A_171 = arith.constant 1 : i32
        %eq3A_172 = arith.cmpi eq, %and3A_149, %eq3A_171 : i32
        %convert_element_type3A_173 = arith.extui %eq3A_172 : i1 to i32
        %cond3A_174 = arith.constant 0 : i32
        %cond3A_175 = arith.cmpi ne, %convert_element_type3A_173, %cond3A_174 : i32
        scf.if %cond3A_175 {
          %mul3A_216 = arith.constant 16 : i32
          %mul3A_217 = arith.muli %while3A_147, %mul3A_216 : i32
          %dma_wait3A = arith.constant 1 : i32
          %dma_wait3A_218 = arith.constant 0 : i32
          %dma_wait3A_219 = arith.constant 0 : i32
          %dma_wait3A_220 = tpu.memref_slice %arg11[%dma_wait3A, %dma_wait3A_218, %dma_wait3A_219] : memref<2x16x128xf32, #tpu.memory_space<vmem>> -> memref<1x16x128xf32, #tpu.memory_space<vmem>>
          %dma_wait3A_221 = tpu.memref_squeeze %dma_wait3A_220 : memref<1x16x128xf32, #tpu.memory_space<vmem>> -> memref<16x128xf32, #tpu.memory_space<vmem>>
          %dma_wait3A_222 = tpu.memref_slice %arg9[%mul3A_217] : memref<784xi32, #tpu.memory_space<vmem>> -> memref<16xi32, #tpu.memory_space<vmem>>
          %dma_wait3A_223 = arith.constant 0 : i32
          %dma_wait3A_224 = arith.constant 0 : i32
          %dma_wait3A_225 = tpu.memref_slice %arg12[%dma_wait3A_223, %dma_wait3A_224] : memref<10000x128xf32, #tpu.memory_space<vmem_shared>> -> memref<10000x128xf32, #tpu.memory_space<vmem_shared>>
          tpu.wait_indirect_dma semaphore(%arg16 : memref<!tpu.dma_semaphore, #tpu.memory_space<semaphore_mem>>) src(%dma_wait3A_225 : memref<10000x128xf32, #tpu.memory_space<vmem_shared>>) dst(%dma_wait3A_221 : memref<16x128xf32, #tpu.memory_space<vmem>>)
        } else {
        }
        %mul3A_176 = arith.constant 16 : i32
        %mul3A_177 = arith.muli %while3A_147, %mul3A_176 : i32
        %sub3A_178 = arith.subi %scan3A_111, %mul3A_177 : i32
        %min3A = arith.constant 16 : i32
        %min3A_179 = arith.minsi %sub3A_178, %min3A : i32
        %add3A_180 = arith.constant 1 : i32
        %add3A_181 = arith.addi %min3A_179, %add3A_180 : i32
        %jit3A_182 = arith.constant 2 : i32
        %div3A_183 = arith.divsi %add3A_181, %jit3A_182 : i32
        %sign3A_184 = arith.constant 0 : i32
        %sign3A_185 = arith.cmpi sgt, %add3A_181, %sign3A_184 : i32
        %sign3A_186 = arith.extui %sign3A_185 : i1 to i32
        %sign3A_187 = arith.constant 0 : i32
        %sign3A_188 = arith.cmpi slt, %add3A_181, %sign3A_187 : i32
        %sign3A_189 = arith.extui %sign3A_188 : i1 to i32
        %sign3A_190 = arith.subi %sign3A_186, %sign3A_189 : i32
        %sign3A_191 = arith.constant 0 : i32
        %sign3A_192 = arith.cmpi sgt, %jit3A_182, %sign3A_191 : i32
        %sign3A_193 = arith.extui %sign3A_192 : i1 to i32
        %sign3A_194 = arith.constant 0 : i32
        %sign3A_195 = arith.cmpi slt, %jit3A_182, %sign3A_194 : i32
        %sign3A_196 = arith.extui %sign3A_195 : i1 to i32
        %sign3A_197 = arith.subi %sign3A_193, %sign3A_196 : i32
        %ne3A_198 = arith.cmpi ne, %sign3A_190, %sign3A_197 : i32
        %rem3A_199 = arith.remsi %add3A_181, %jit3A_182 : i32
        %ne3A_200 = arith.constant 0 : i32
        %ne3A_201 = arith.cmpi ne, %rem3A_199, %ne3A_200 : i32
        %and3A_202 = arith.andi %ne3A_198, %ne3A_201 : i1
        %sub3A_203 = arith.constant 1 : i32
        %sub3A_204 = arith.subi %div3A_183, %sub3A_203 : i32
        %select_n3A_205 = arith.select %and3A_202, %sub3A_204, %div3A_183 : i32
        %while3A_206 = arith.constant 0 : i32
        %while3A_207 = arith.constant 0 : i32
        %while3A_208 = arith.subi %select_n3A_205, %while3A_207 : i32
        %while3A_209 = arith.addi %while3A_207, %while3A_208 : i32
        %while3A_210 = arith.constant 1 : i32
        %while3A_211 = arith.divsi %while3A_208, %while3A_210 : i32
        %while3A_212 = arith.muli %while3A_211, %while3A_210 : i32
        %while3A_213 = arith.addi %while3A_207, %while3A_212 : i32
        %while3A_214 = arith.constant 1 : i32
        scf.for %while3A_216 = %while3A_207 to %while3A_213 step %while3A_214  : i32 {
          %mul3A_217 = arith.constant 2 : i32
          %mul3A_218 = arith.muli %mul3A_217, %while3A_216 : i32
          %mul3A_219 = arith.constant 2 : i32
          %mul3A_220 = arith.muli %mul3A_219, %while3A_216 : i32
          %add3A_221 = arith.constant 1 : i32
          %add3A_222 = arith.addi %mul3A_220, %add3A_221 : i32
          %mul3A_223 = arith.constant 16 : i32
          %mul3A_224 = arith.muli %while3A_147, %mul3A_223 : i32
          %add3A_225 = arith.addi %mul3A_224, %mul3A_218 : i32
          %broadcast_in_dim3A_226 = vector.broadcast %add3A_225 : i32 to vector<16xi32>
          %gather3A = tpu.vector_load_idx %arg10[%broadcast_in_dim3A_226] : memref<784xi32, #tpu.memory_space<vmem>>[vector<16xi32>], vector<16xi32>,
          %add3A_227 = arith.constant 1 : i32
          %add3A_228 = arith.addi %add3A_225, %add3A_227 : i32
          %broadcast_in_dim3A_229 = vector.broadcast %add3A_228 : i32 to vector<16xi32>
          %gather3A_230 = tpu.vector_load_idx %arg10[%broadcast_in_dim3A_229] : memref<784xi32, #tpu.memory_space<vmem>>[vector<16xi32>], vector<16xi32>,
          %lt3A_231 = arith.cmpi slt, %add3A_222, %min3A_179 : i32
          %broadcast_in_dim3A_232 = vector.broadcast %lt3A_231 : i1 to vector<16xi1>
          %mul3A_233 = arith.constant 128 : i32
          %mul3A_234 = vector.broadcast %mul3A_233 : i32 to vector<16xi32>
          %mul3A_235 = arith.muli %gather3A, %mul3A_234 : vector<16xi32>
          %mul3A_236 = arith.constant 128 : i32
          %mul3A_237 = vector.broadcast %mul3A_236 : i32 to vector<16xi32>
          %mul3A_238 = arith.muli %gather3A_230, %mul3A_237 : vector<16xi32>
          %add3A_239 = arith.addi %mul3A_235, %add3A_14 : vector<16xi32>
          %add3A_240 = arith.addi %mul3A_238, %add3A_14 : vector<16xi32>
          %gather3A_241 = tpu.vector_load_idx %arg6[%add3A_239] : memref<40960xf32, #tpu.memory_space<vmem>>[vector<16xi32>], vector<16xf32>,
          %get3A = arith.index_cast %and3A_149 : i32 to index
          %get3A_242 = arith.index_cast %mul3A_218 : i32 to index
          %get3A_243 = arith.constant 0 : index
          %get3A_244 = tpu.vector_load %arg11[%get3A, %get3A_242, %get3A_243] {strides = array<i32>} : memref<2x16x128xf32, #tpu.memory_space<vmem>>, vector<16xf32>,
          %max3A = arith.maximumf %gather3A_241, %get3A_244 : vector<16xf32>
          tpu.vector_store_idx %arg6[%add3A_239], %max3A : memref<40960xf32, #tpu.memory_space<vmem>>[vector<16xi32>], vector<16xf32>,
          %gather3A_245 = tpu.vector_load_idx %arg6[%add3A_240] : memref<40960xf32, #tpu.memory_space<vmem>>[vector<16xi32>], vector<16xf32>,
          %get3A_246 = arith.index_cast %and3A_149 : i32 to index
          %get3A_247 = arith.index_cast %add3A_222 : i32 to index
          %get3A_248 = arith.constant 0 : index
          %get3A_249 = tpu.vector_load %arg11[%get3A_246, %get3A_247, %get3A_248] {strides = array<i32>} : memref<2x16x128xf32, #tpu.memory_space<vmem>>, vector<16xf32>,
          %max3A_250 = arith.maximumf %gather3A_245, %get3A_249 : vector<16xf32>
          tpu.vector_store_idx %arg6[%add3A_240], %max3A_250 masked %broadcast_in_dim3A_232 : memref<40960xf32, #tpu.memory_space<vmem>>[vector<16xi32>], vector<16xf32>, vector<16xi1>
          %add3A_251 = arith.addi %mul3A_235, %add3A_17 : vector<16xi32>
          %add3A_252 = arith.addi %mul3A_238, %add3A_17 : vector<16xi32>
          %gather3A_253 = tpu.vector_load_idx %arg6[%add3A_251] : memref<40960xf32, #tpu.memory_space<vmem>>[vector<16xi32>], vector<16xf32>,
          %get3A_254 = arith.index_cast %and3A_149 : i32 to index
          %get3A_255 = arith.index_cast %mul3A_218 : i32 to index
          %get3A_256 = arith.constant 16 : index
          %get3A_257 = tpu.vector_load %arg11[%get3A_254, %get3A_255, %get3A_256] {strides = array<i32>} : memref<2x16x128xf32, #tpu.memory_space<vmem>>, vector<16xf32>,
          %max3A_258 = arith.maximumf %gather3A_253, %get3A_257 : vector<16xf32>
          tpu.vector_store_idx %arg6[%add3A_251], %max3A_258 : memref<40960xf32, #tpu.memory_space<vmem>>[vector<16xi32>], vector<16xf32>,
          %gather3A_259 = tpu.vector_load_idx %arg6[%add3A_252] : memref<40960xf32, #tpu.memory_space<vmem>>[vector<16xi32>], vector<16xf32>,
          %get3A_260 = arith.index_cast %and3A_149 : i32 to index
          %get3A_261 = arith.index_cast %add3A_222 : i32 to index
          %get3A_262 = arith.constant 16 : index
          %get3A_263 = tpu.vector_load %arg11[%get3A_260, %get3A_261, %get3A_262] {strides = array<i32>} : memref<2x16x128xf32, #tpu.memory_space<vmem>>, vector<16xf32>,
          %max3A_264 = arith.maximumf %gather3A_259, %get3A_263 : vector<16xf32>
          tpu.vector_store_idx %arg6[%add3A_252], %max3A_264 masked %broadcast_in_dim3A_232 : memref<40960xf32, #tpu.memory_space<vmem>>[vector<16xi32>], vector<16xf32>, vector<16xi1>
          %add3A_265 = arith.addi %mul3A_235, %add3A_20 : vector<16xi32>
          %add3A_266 = arith.addi %mul3A_238, %add3A_20 : vector<16xi32>
          %gather3A_267 = tpu.vector_load_idx %arg6[%add3A_265] : memref<40960xf32, #tpu.memory_space<vmem>>[vector<16xi32>], vector<16xf32>,
          %get3A_268 = arith.index_cast %and3A_149 : i32 to index
          %get3A_269 = arith.index_cast %mul3A_218 : i32 to index
          %get3A_270 = arith.constant 32 : index
          %get3A_271 = tpu.vector_load %arg11[%get3A_268, %get3A_269, %get3A_270] {strides = array<i32>} : memref<2x16x128xf32, #tpu.memory_space<vmem>>, vector<16xf32>,
          %max3A_272 = arith.maximumf %gather3A_267, %get3A_271 : vector<16xf32>
          tpu.vector_store_idx %arg6[%add3A_265], %max3A_272 : memref<40960xf32, #tpu.memory_space<vmem>>[vector<16xi32>], vector<16xf32>,
          %gather3A_273 = tpu.vector_load_idx %arg6[%add3A_266] : memref<40960xf32, #tpu.memory_space<vmem>>[vector<16xi32>], vector<16xf32>,
          %get3A_274 = arith.index_cast %and3A_149 : i32 to index
          %get3A_275 = arith.index_cast %add3A_222 : i32 to index
          %get3A_276 = arith.constant 32 : index
          %get3A_277 = tpu.vector_load %arg11[%get3A_274, %get3A_275, %get3A_276] {strides = array<i32>} : memref<2x16x128xf32, #tpu.memory_space<vmem>>, vector<16xf32>,
          %max3A_278 = arith.maximumf %gather3A_273, %get3A_277 : vector<16xf32>
          tpu.vector_store_idx %arg6[%add3A_266], %max3A_278 masked %broadcast_in_dim3A_232 : memref<40960xf32, #tpu.memory_space<vmem>>[vector<16xi32>], vector<16xf32>, vector<16xi1>
          %add3A_279 = arith.addi %mul3A_235, %add3A_23 : vector<16xi32>
          %add3A_280 = arith.addi %mul3A_238, %add3A_23 : vector<16xi32>
          %gather3A_281 = tpu.vector_load_idx %arg6[%add3A_279] : memref<40960xf32, #tpu.memory_space<vmem>>[vector<16xi32>], vector<16xf32>,
          %get3A_282 = arith.index_cast %and3A_149 : i32 to index
          %get3A_283 = arith.index_cast %mul3A_218 : i32 to index
          %get3A_284 = arith.constant 48 : index
          %get3A_285 = tpu.vector_load %arg11[%get3A_282, %get3A_283, %get3A_284] {strides = array<i32>} : memref<2x16x128xf32, #tpu.memory_space<vmem>>, vector<16xf32>,
          %max3A_286 = arith.maximumf %gather3A_281, %get3A_285 : vector<16xf32>
          tpu.vector_store_idx %arg6[%add3A_279], %max3A_286 : memref<40960xf32, #tpu.memory_space<vmem>>[vector<16xi32>], vector<16xf32>,
          %gather3A_287 = tpu.vector_load_idx %arg6[%add3A_280] : memref<40960xf32, #tpu.memory_space<vmem>>[vector<16xi32>], vector<16xf32>,
          %get3A_288 = arith.index_cast %and3A_149 : i32 to index
          %get3A_289 = arith.index_cast %add3A_222 : i32 to index
          %get3A_290 = arith.constant 48 : index
          %get3A_291 = tpu.vector_load %arg11[%get3A_288, %get3A_289, %get3A_290] {strides = array<i32>} : memref<2x16x128xf32, #tpu.memory_space<vmem>>, vector<16xf32>,
          %max3A_292 = arith.maximumf %gather3A_287, %get3A_291 : vector<16xf32>
          tpu.vector_store_idx %arg6[%add3A_280], %max3A_292 masked %broadcast_in_dim3A_232 : memref<40960xf32, #tpu.memory_space<vmem>>[vector<16xi32>], vector<16xf32>, vector<16xi1>
          %add3A_293 = arith.addi %mul3A_235, %add3A_26 : vector<16xi32>
          %add3A_294 = arith.addi %mul3A_238, %add3A_26 : vector<16xi32>
          %gather3A_295 = tpu.vector_load_idx %arg6[%add3A_293] : memref<40960xf32, #tpu.memory_space<vmem>>[vector<16xi32>], vector<16xf32>,
          %get3A_296 = arith.index_cast %and3A_149 : i32 to index
          %get3A_297 = arith.index_cast %mul3A_218 : i32 to index
          %get3A_298 = arith.constant 64 : index
          %get3A_299 = tpu.vector_load %arg11[%get3A_296, %get3A_297, %get3A_298] {strides = array<i32>} : memref<2x16x128xf32, #tpu.memory_space<vmem>>, vector<16xf32>,
          %max3A_300 = arith.maximumf %gather3A_295, %get3A_299 : vector<16xf32>
          tpu.vector_store_idx %arg6[%add3A_293], %max3A_300 : memref<40960xf32, #tpu.memory_space<vmem>>[vector<16xi32>], vector<16xf32>,
          %gather3A_301 = tpu.vector_load_idx %arg6[%add3A_294] : memref<40960xf32, #tpu.memory_space<vmem>>[vector<16xi32>], vector<16xf32>,
          %get3A_302 = arith.index_cast %and3A_149 : i32 to index
          %get3A_303 = arith.index_cast %add3A_222 : i32 to index
          %get3A_304 = arith.constant 64 : index
          %get3A_305 = tpu.vector_load %arg11[%get3A_302, %get3A_303, %get3A_304] {strides = array<i32>} : memref<2x16x128xf32, #tpu.memory_space<vmem>>, vector<16xf32>,
          %max3A_306 = arith.maximumf %gather3A_301, %get3A_305 : vector<16xf32>
          tpu.vector_store_idx %arg6[%add3A_294], %max3A_306 masked %broadcast_in_dim3A_232 : memref<40960xf32, #tpu.memory_space<vmem>>[vector<16xi32>], vector<16xf32>, vector<16xi1>
          %add3A_307 = arith.addi %mul3A_235, %add3A_29 : vector<16xi32>
          %add3A_308 = arith.addi %mul3A_238, %add3A_29 : vector<16xi32>
          %gather3A_309 = tpu.vector_load_idx %arg6[%add3A_307] : memref<40960xf32, #tpu.memory_space<vmem>>[vector<16xi32>], vector<16xf32>,
          %get3A_310 = arith.index_cast %and3A_149 : i32 to index
          %get3A_311 = arith.index_cast %mul3A_218 : i32 to index
          %get3A_312 = arith.constant 80 : index
          %get3A_313 = tpu.vector_load %arg11[%get3A_310, %get3A_311, %get3A_312] {strides = array<i32>} : memref<2x16x128xf32, #tpu.memory_space<vmem>>, vector<16xf32>,
          %max3A_314 = arith.maximumf %gather3A_309, %get3A_313 : vector<16xf32>
          tpu.vector_store_idx %arg6[%add3A_307], %max3A_314 : memref<40960xf32, #tpu.memory_space<vmem>>[vector<16xi32>], vector<16xf32>,
          %gather3A_315 = tpu.vector_load_idx %arg6[%add3A_308] : memref<40960xf32, #tpu.memory_space<vmem>>[vector<16xi32>], vector<16xf32>,
          %get3A_316 = arith.index_cast %and3A_149 : i32 to index
          %get3A_317 = arith.index_cast %add3A_222 : i32 to index
          %get3A_318 = arith.constant 80 : index
          %get3A_319 = tpu.vector_load %arg11[%get3A_316, %get3A_317, %get3A_318] {strides = array<i32>} : memref<2x16x128xf32, #tpu.memory_space<vmem>>, vector<16xf32>,
          %max3A_320 = arith.maximumf %gather3A_315, %get3A_319 : vector<16xf32>
          tpu.vector_store_idx %arg6[%add3A_308], %max3A_320 masked %broadcast_in_dim3A_232 : memref<40960xf32, #tpu.memory_space<vmem>>[vector<16xi32>], vector<16xf32>, vector<16xi1>
          %add3A_321 = arith.addi %mul3A_235, %add3A_32 : vector<16xi32>
          %add3A_322 = arith.addi %mul3A_238, %add3A_32 : vector<16xi32>
          %gather3A_323 = tpu.vector_load_idx %arg6[%add3A_321] : memref<40960xf32, #tpu.memory_space<vmem>>[vector<16xi32>], vector<16xf32>,
          %get3A_324 = arith.index_cast %and3A_149 : i32 to index
          %get3A_325 = arith.index_cast %mul3A_218 : i32 to index
          %get3A_326 = arith.constant 96 : index
          %get3A_327 = tpu.vector_load %arg11[%get3A_324, %get3A_325, %get3A_326] {strides = array<i32>} : memref<2x16x128xf32, #tpu.memory_space<vmem>>, vector<16xf32>,
          %max3A_328 = arith.maximumf %gather3A_323, %get3A_327 : vector<16xf32>
          tpu.vector_store_idx %arg6[%add3A_321], %max3A_328 : memref<40960xf32, #tpu.memory_space<vmem>>[vector<16xi32>], vector<16xf32>,
          %gather3A_329 = tpu.vector_load_idx %arg6[%add3A_322] : memref<40960xf32, #tpu.memory_space<vmem>>[vector<16xi32>], vector<16xf32>,
          %get3A_330 = arith.index_cast %and3A_149 : i32 to index
          %get3A_331 = arith.index_cast %add3A_222 : i32 to index
          %get3A_332 = arith.constant 96 : index
          %get3A_333 = tpu.vector_load %arg11[%get3A_330, %get3A_331, %get3A_332] {strides = array<i32>} : memref<2x16x128xf32, #tpu.memory_space<vmem>>, vector<16xf32>,
          %max3A_334 = arith.maximumf %gather3A_329, %get3A_333 : vector<16xf32>
          tpu.vector_store_idx %arg6[%add3A_322], %max3A_334 masked %broadcast_in_dim3A_232 : memref<40960xf32, #tpu.memory_space<vmem>>[vector<16xi32>], vector<16xf32>, vector<16xi1>
          %add3A_335 = arith.addi %mul3A_235, %add3A_35 : vector<16xi32>
          %add3A_336 = arith.addi %mul3A_238, %add3A_35 : vector<16xi32>
          %gather3A_337 = tpu.vector_load_idx %arg6[%add3A_335] : memref<40960xf32, #tpu.memory_space<vmem>>[vector<16xi32>], vector<16xf32>,
          %get3A_338 = arith.index_cast %and3A_149 : i32 to index
          %get3A_339 = arith.index_cast %mul3A_218 : i32 to index
          %get3A_340 = arith.constant 112 : index
          %get3A_341 = tpu.vector_load %arg11[%get3A_338, %get3A_339, %get3A_340] {strides = array<i32>} : memref<2x16x128xf32, #tpu.memory_space<vmem>>, vector<16xf32>,
          %max3A_342 = arith.maximumf %gather3A_337, %get3A_341 : vector<16xf32>
          tpu.vector_store_idx %arg6[%add3A_335], %max3A_342 : memref<40960xf32, #tpu.memory_space<vmem>>[vector<16xi32>], vector<16xf32>,
          %gather3A_343 = tpu.vector_load_idx %arg6[%add3A_336] : memref<40960xf32, #tpu.memory_space<vmem>>[vector<16xi32>], vector<16xf32>,
          %get3A_344 = arith.index_cast %and3A_149 : i32 to index
          %get3A_345 = arith.index_cast %add3A_222 : i32 to index
          %get3A_346 = arith.constant 112 : index
          %get3A_347 = tpu.vector_load %arg11[%get3A_344, %get3A_345, %get3A_346] {strides = array<i32>} : memref<2x16x128xf32, #tpu.memory_space<vmem>>, vector<16xf32>,
          %max3A_348 = arith.maximumf %gather3A_343, %get3A_347 : vector<16xf32>
          tpu.vector_store_idx %arg6[%add3A_336], %max3A_348 masked %broadcast_in_dim3A_232 : memref<40960xf32, #tpu.memory_space<vmem>>[vector<16xi32>], vector<16xf32>, vector<16xi1>
        }
        %while3A_215 = arith.constant 1 : i32
        scf.for %while3A_216 = %while3A_213 to %while3A_209 step %while3A_215  : i32 {
          %mul3A_217 = arith.constant 2 : i32
          %mul3A_218 = arith.muli %mul3A_217, %while3A_216 : i32
          %mul3A_219 = arith.constant 2 : i32
          %mul3A_220 = arith.muli %mul3A_219, %while3A_216 : i32
          %add3A_221 = arith.constant 1 : i32
          %add3A_222 = arith.addi %mul3A_220, %add3A_221 : i32
          %mul3A_223 = arith.constant 16 : i32
          %mul3A_224 = arith.muli %while3A_147, %mul3A_223 : i32
          %add3A_225 = arith.addi %mul3A_224, %mul3A_218 : i32
          %broadcast_in_dim3A_226 = vector.broadcast %add3A_225 : i32 to vector<16xi32>
          %gather3A = tpu.vector_load_idx %arg10[%broadcast_in_dim3A_226] : memref<784xi32, #tpu.memory_space<vmem>>[vector<16xi32>], vector<16xi32>,
          %add3A_227 = arith.constant 1 : i32
          %add3A_228 = arith.addi %add3A_225, %add3A_227 : i32
          %broadcast_in_dim3A_229 = vector.broadcast %add3A_228 : i32 to vector<16xi32>
          %gather3A_230 = tpu.vector_load_idx %arg10[%broadcast_in_dim3A_229] : memref<784xi32, #tpu.memory_space<vmem>>[vector<16xi32>], vector<16xi32>,
          %lt3A_231 = arith.cmpi slt, %add3A_222, %min3A_179 : i32
          %broadcast_in_dim3A_232 = vector.broadcast %lt3A_231 : i1 to vector<16xi1>
          %mul3A_233 = arith.constant 128 : i32
          %mul3A_234 = vector.broadcast %mul3A_233 : i32 to vector<16xi32>
          %mul3A_235 = arith.muli %gather3A, %mul3A_234 : vector<16xi32>
          %mul3A_236 = arith.constant 128 : i32
          %mul3A_237 = vector.broadcast %mul3A_236 : i32 to vector<16xi32>
          %mul3A_238 = arith.muli %gather3A_230, %mul3A_237 : vector<16xi32>
          %add3A_239 = arith.addi %mul3A_235, %add3A_14 : vector<16xi32>
          %add3A_240 = arith.addi %mul3A_238, %add3A_14 : vector<16xi32>
          %gather3A_241 = tpu.vector_load_idx %arg6[%add3A_239] : memref<40960xf32, #tpu.memory_space<vmem>>[vector<16xi32>], vector<16xf32>,
          %get3A = arith.index_cast %and3A_149 : i32 to index
          %get3A_242 = arith.index_cast %mul3A_218 : i32 to index
          %get3A_243 = arith.constant 0 : index
          %get3A_244 = tpu.vector_load %arg11[%get3A, %get3A_242, %get3A_243] {strides = array<i32>} : memref<2x16x128xf32, #tpu.memory_space<vmem>>, vector<16xf32>,
          %max3A = arith.maximumf %gather3A_241, %get3A_244 : vector<16xf32>
          tpu.vector_store_idx %arg6[%add3A_239], %max3A : memref<40960xf32, #tpu.memory_space<vmem>>[vector<16xi32>], vector<16xf32>,
          %gather3A_245 = tpu.vector_load_idx %arg6[%add3A_240] : memref<40960xf32, #tpu.memory_space<vmem>>[vector<16xi32>], vector<16xf32>,
          %get3A_246 = arith.index_cast %and3A_149 : i32 to index
          %get3A_247 = arith.index_cast %add3A_222 : i32 to index
          %get3A_248 = arith.constant 0 : index
          %get3A_249 = tpu.vector_load %arg11[%get3A_246, %get3A_247, %get3A_248] {strides = array<i32>} : memref<2x16x128xf32, #tpu.memory_space<vmem>>, vector<16xf32>,
          %max3A_250 = arith.maximumf %gather3A_245, %get3A_249 : vector<16xf32>
          tpu.vector_store_idx %arg6[%add3A_240], %max3A_250 masked %broadcast_in_dim3A_232 : memref<40960xf32, #tpu.memory_space<vmem>>[vector<16xi32>], vector<16xf32>, vector<16xi1>
          %add3A_251 = arith.addi %mul3A_235, %add3A_17 : vector<16xi32>
          %add3A_252 = arith.addi %mul3A_238, %add3A_17 : vector<16xi32>
          %gather3A_253 = tpu.vector_load_idx %arg6[%add3A_251] : memref<40960xf32, #tpu.memory_space<vmem>>[vector<16xi32>], vector<16xf32>,
          %get3A_254 = arith.index_cast %and3A_149 : i32 to index
          %get3A_255 = arith.index_cast %mul3A_218 : i32 to index
          %get3A_256 = arith.constant 16 : index
          %get3A_257 = tpu.vector_load %arg11[%get3A_254, %get3A_255, %get3A_256] {strides = array<i32>} : memref<2x16x128xf32, #tpu.memory_space<vmem>>, vector<16xf32>,
          %max3A_258 = arith.maximumf %gather3A_253, %get3A_257 : vector<16xf32>
          tpu.vector_store_idx %arg6[%add3A_251], %max3A_258 : memref<40960xf32, #tpu.memory_space<vmem>>[vector<16xi32>], vector<16xf32>,
          %gather3A_259 = tpu.vector_load_idx %arg6[%add3A_252] : memref<40960xf32, #tpu.memory_space<vmem>>[vector<16xi32>], vector<16xf32>,
          %get3A_260 = arith.index_cast %and3A_149 : i32 to index
          %get3A_261 = arith.index_cast %add3A_222 : i32 to index
          %get3A_262 = arith.constant 16 : index
          %get3A_263 = tpu.vector_load %arg11[%get3A_260, %get3A_261, %get3A_262] {strides = array<i32>} : memref<2x16x128xf32, #tpu.memory_space<vmem>>, vector<16xf32>,
          %max3A_264 = arith.maximumf %gather3A_259, %get3A_263 : vector<16xf32>
          tpu.vector_store_idx %arg6[%add3A_252], %max3A_264 masked %broadcast_in_dim3A_232 : memref<40960xf32, #tpu.memory_space<vmem>>[vector<16xi32>], vector<16xf32>, vector<16xi1>
          %add3A_265 = arith.addi %mul3A_235, %add3A_20 : vector<16xi32>
          %add3A_266 = arith.addi %mul3A_238, %add3A_20 : vector<16xi32>
          %gather3A_267 = tpu.vector_load_idx %arg6[%add3A_265] : memref<40960xf32, #tpu.memory_space<vmem>>[vector<16xi32>], vector<16xf32>,
          %get3A_268 = arith.index_cast %and3A_149 : i32 to index
          %get3A_269 = arith.index_cast %mul3A_218 : i32 to index
          %get3A_270 = arith.constant 32 : index
          %get3A_271 = tpu.vector_load %arg11[%get3A_268, %get3A_269, %get3A_270] {strides = array<i32>} : memref<2x16x128xf32, #tpu.memory_space<vmem>>, vector<16xf32>,
          %max3A_272 = arith.maximumf %gather3A_267, %get3A_271 : vector<16xf32>
          tpu.vector_store_idx %arg6[%add3A_265], %max3A_272 : memref<40960xf32, #tpu.memory_space<vmem>>[vector<16xi32>], vector<16xf32>,
          %gather3A_273 = tpu.vector_load_idx %arg6[%add3A_266] : memref<40960xf32, #tpu.memory_space<vmem>>[vector<16xi32>], vector<16xf32>,
          %get3A_274 = arith.index_cast %and3A_149 : i32 to index
          %get3A_275 = arith.index_cast %add3A_222 : i32 to index
          %get3A_276 = arith.constant 32 : index
          %get3A_277 = tpu.vector_load %arg11[%get3A_274, %get3A_275, %get3A_276] {strides = array<i32>} : memref<2x16x128xf32, #tpu.memory_space<vmem>>, vector<16xf32>,
          %max3A_278 = arith.maximumf %gather3A_273, %get3A_277 : vector<16xf32>
          tpu.vector_store_idx %arg6[%add3A_266], %max3A_278 masked %broadcast_in_dim3A_232 : memref<40960xf32, #tpu.memory_space<vmem>>[vector<16xi32>], vector<16xf32>, vector<16xi1>
          %add3A_279 = arith.addi %mul3A_235, %add3A_23 : vector<16xi32>
          %add3A_280 = arith.addi %mul3A_238, %add3A_23 : vector<16xi32>
          %gather3A_281 = tpu.vector_load_idx %arg6[%add3A_279] : memref<40960xf32, #tpu.memory_space<vmem>>[vector<16xi32>], vector<16xf32>,
          %get3A_282 = arith.index_cast %and3A_149 : i32 to index
          %get3A_283 = arith.index_cast %mul3A_218 : i32 to index
          %get3A_284 = arith.constant 48 : index
          %get3A_285 = tpu.vector_load %arg11[%get3A_282, %get3A_283, %get3A_284] {strides = array<i32>} : memref<2x16x128xf32, #tpu.memory_space<vmem>>, vector<16xf32>,
          %max3A_286 = arith.maximumf %gather3A_281, %get3A_285 : vector<16xf32>
          tpu.vector_store_idx %arg6[%add3A_279], %max3A_286 : memref<40960xf32, #tpu.memory_space<vmem>>[vector<16xi32>], vector<16xf32>,
          %gather3A_287 = tpu.vector_load_idx %arg6[%add3A_280] : memref<40960xf32, #tpu.memory_space<vmem>>[vector<16xi32>], vector<16xf32>,
          %get3A_288 = arith.index_cast %and3A_149 : i32 to index
          %get3A_289 = arith.index_cast %add3A_222 : i32 to index
          %get3A_290 = arith.constant 48 : index
          %get3A_291 = tpu.vector_load %arg11[%get3A_288, %get3A_289, %get3A_290] {strides = array<i32>} : memref<2x16x128xf32, #tpu.memory_space<vmem>>, vector<16xf32>,
          %max3A_292 = arith.maximumf %gather3A_287, %get3A_291 : vector<16xf32>
          tpu.vector_store_idx %arg6[%add3A_280], %max3A_292 masked %broadcast_in_dim3A_232 : memref<40960xf32, #tpu.memory_space<vmem>>[vector<16xi32>], vector<16xf32>, vector<16xi1>
          %add3A_293 = arith.addi %mul3A_235, %add3A_26 : vector<16xi32>
          %add3A_294 = arith.addi %mul3A_238, %add3A_26 : vector<16xi32>
          %gather3A_295 = tpu.vector_load_idx %arg6[%add3A_293] : memref<40960xf32, #tpu.memory_space<vmem>>[vector<16xi32>], vector<16xf32>,
          %get3A_296 = arith.index_cast %and3A_149 : i32 to index
          %get3A_297 = arith.index_cast %mul3A_218 : i32 to index
          %get3A_298 = arith.constant 64 : index
          %get3A_299 = tpu.vector_load %arg11[%get3A_296, %get3A_297, %get3A_298] {strides = array<i32>} : memref<2x16x128xf32, #tpu.memory_space<vmem>>, vector<16xf32>,
          %max3A_300 = arith.maximumf %gather3A_295, %get3A_299 : vector<16xf32>
          tpu.vector_store_idx %arg6[%add3A_293], %max3A_300 : memref<40960xf32, #tpu.memory_space<vmem>>[vector<16xi32>], vector<16xf32>,
          %gather3A_301 = tpu.vector_load_idx %arg6[%add3A_294] : memref<40960xf32, #tpu.memory_space<vmem>>[vector<16xi32>], vector<16xf32>,
          %get3A_302 = arith.index_cast %and3A_149 : i32 to index
          %get3A_303 = arith.index_cast %add3A_222 : i32 to index
          %get3A_304 = arith.constant 64 : index
          %get3A_305 = tpu.vector_load %arg11[%get3A_302, %get3A_303, %get3A_304] {strides = array<i32>} : memref<2x16x128xf32, #tpu.memory_space<vmem>>, vector<16xf32>,
          %max3A_306 = arith.maximumf %gather3A_301, %get3A_305 : vector<16xf32>
          tpu.vector_store_idx %arg6[%add3A_294], %max3A_306 masked %broadcast_in_dim3A_232 : memref<40960xf32, #tpu.memory_space<vmem>>[vector<16xi32>], vector<16xf32>, vector<16xi1>
          %add3A_307 = arith.addi %mul3A_235, %add3A_29 : vector<16xi32>
          %add3A_308 = arith.addi %mul3A_238, %add3A_29 : vector<16xi32>
          %gather3A_309 = tpu.vector_load_idx %arg6[%add3A_307] : memref<40960xf32, #tpu.memory_space<vmem>>[vector<16xi32>], vector<16xf32>,
          %get3A_310 = arith.index_cast %and3A_149 : i32 to index
          %get3A_311 = arith.index_cast %mul3A_218 : i32 to index
          %get3A_312 = arith.constant 80 : index
          %get3A_313 = tpu.vector_load %arg11[%get3A_310, %get3A_311, %get3A_312] {strides = array<i32>} : memref<2x16x128xf32, #tpu.memory_space<vmem>>, vector<16xf32>,
          %max3A_314 = arith.maximumf %gather3A_309, %get3A_313 : vector<16xf32>
          tpu.vector_store_idx %arg6[%add3A_307], %max3A_314 : memref<40960xf32, #tpu.memory_space<vmem>>[vector<16xi32>], vector<16xf32>,
          %gather3A_315 = tpu.vector_load_idx %arg6[%add3A_308] : memref<40960xf32, #tpu.memory_space<vmem>>[vector<16xi32>], vector<16xf32>,
          %get3A_316 = arith.index_cast %and3A_149 : i32 to index
          %get3A_317 = arith.index_cast %add3A_222 : i32 to index
          %get3A_318 = arith.constant 80 : index
          %get3A_319 = tpu.vector_load %arg11[%get3A_316, %get3A_317, %get3A_318] {strides = array<i32>} : memref<2x16x128xf32, #tpu.memory_space<vmem>>, vector<16xf32>,
          %max3A_320 = arith.maximumf %gather3A_315, %get3A_319 : vector<16xf32>
          tpu.vector_store_idx %arg6[%add3A_308], %max3A_320 masked %broadcast_in_dim3A_232 : memref<40960xf32, #tpu.memory_space<vmem>>[vector<16xi32>], vector<16xf32>, vector<16xi1>
          %add3A_321 = arith.addi %mul3A_235, %add3A_32 : vector<16xi32>
          %add3A_322 = arith.addi %mul3A_238, %add3A_32 : vector<16xi32>
          %gather3A_323 = tpu.vector_load_idx %arg6[%add3A_321] : memref<40960xf32, #tpu.memory_space<vmem>>[vector<16xi32>], vector<16xf32>,
          %get3A_324 = arith.index_cast %and3A_149 : i32 to index
          %get3A_325 = arith.index_cast %mul3A_218 : i32 to index
          %get3A_326 = arith.constant 96 : index
          %get3A_327 = tpu.vector_load %arg11[%get3A_324, %get3A_325, %get3A_326] {strides = array<i32>} : memref<2x16x128xf32, #tpu.memory_space<vmem>>, vector<16xf32>,
          %max3A_328 = arith.maximumf %gather3A_323, %get3A_327 : vector<16xf32>
          tpu.vector_store_idx %arg6[%add3A_321], %max3A_328 : memref<40960xf32, #tpu.memory_space<vmem>>[vector<16xi32>], vector<16xf32>,
          %gather3A_329 = tpu.vector_load_idx %arg6[%add3A_322] : memref<40960xf32, #tpu.memory_space<vmem>>[vector<16xi32>], vector<16xf32>,
          %get3A_330 = arith.index_cast %and3A_149 : i32 to index
          %get3A_331 = arith.index_cast %add3A_222 : i32 to index
          %get3A_332 = arith.constant 96 : index
          %get3A_333 = tpu.vector_load %arg11[%get3A_330, %get3A_331, %get3A_332] {strides = array<i32>} : memref<2x16x128xf32, #tpu.memory_space<vmem>>, vector<16xf32>,
          %max3A_334 = arith.maximumf %gather3A_329, %get3A_333 : vector<16xf32>
          tpu.vector_store_idx %arg6[%add3A_322], %max3A_334 masked %broadcast_in_dim3A_232 : memref<40960xf32, #tpu.memory_space<vmem>>[vector<16xi32>], vector<16xf32>, vector<16xi1>
          %add3A_335 = arith.addi %mul3A_235, %add3A_35 : vector<16xi32>
          %add3A_336 = arith.addi %mul3A_238, %add3A_35 : vector<16xi32>
          %gather3A_337 = tpu.vector_load_idx %arg6[%add3A_335] : memref<40960xf32, #tpu.memory_space<vmem>>[vector<16xi32>], vector<16xf32>,
          %get3A_338 = arith.index_cast %and3A_149 : i32 to index
          %get3A_339 = arith.index_cast %mul3A_218 : i32 to index
          %get3A_340 = arith.constant 112 : index
          %get3A_341 = tpu.vector_load %arg11[%get3A_338, %get3A_339, %get3A_340] {strides = array<i32>} : memref<2x16x128xf32, #tpu.memory_space<vmem>>, vector<16xf32>,
          %max3A_342 = arith.maximumf %gather3A_337, %get3A_341 : vector<16xf32>
          tpu.vector_store_idx %arg6[%add3A_335], %max3A_342 : memref<40960xf32, #tpu.memory_space<vmem>>[vector<16xi32>], vector<16xf32>,
          %gather3A_343 = tpu.vector_load_idx %arg6[%add3A_336] : memref<40960xf32, #tpu.memory_space<vmem>>[vector<16xi32>], vector<16xf32>,
          %get3A_344 = arith.index_cast %and3A_149 : i32 to index
          %get3A_345 = arith.index_cast %add3A_222 : i32 to index
          %get3A_346 = arith.constant 112 : index
          %get3A_347 = tpu.vector_load %arg11[%get3A_344, %get3A_345, %get3A_346] {strides = array<i32>} : memref<2x16x128xf32, #tpu.memory_space<vmem>>, vector<16xf32>,
          %max3A_348 = arith.maximumf %gather3A_343, %get3A_347 : vector<16xf32>
          tpu.vector_store_idx %arg6[%add3A_336], %max3A_348 masked %broadcast_in_dim3A_232 : memref<40960xf32, #tpu.memory_space<vmem>>[vector<16xi32>], vector<16xf32>, vector<16xi1>
        }
      }
      %while3A_146 = arith.constant 1 : i32
      scf.for %while3A_147 = %while3A_144 to %while3A_140 step %while3A_146  : i32 {
        %and3A_148 = arith.constant 1 : i32
        %and3A_149 = arith.andi %while3A_147, %and3A_148 : i32
        %add3A_150 = arith.constant 1 : i32
        %add3A_151 = arith.addi %while3A_147, %add3A_150 : i32
        %lt3A_152 = arith.cmpi slt, %add3A_151, %select_n3A : i32
        %eq3A_153 = arith.constant 1 : i32
        %eq3A_154 = arith.cmpi eq, %and3A_149, %eq3A_153 : i32
        %and3A_155 = arith.andi %lt3A_152, %eq3A_154 : i1
        %convert_element_type3A_156 = arith.extui %and3A_155 : i1 to i32
        %cond3A_157 = arith.constant 0 : i32
        %cond3A_158 = arith.cmpi ne, %convert_element_type3A_156, %cond3A_157 : i32
        scf.if %cond3A_158 {
          %mul3A_216 = arith.constant 16 : i32
          %mul3A_217 = arith.muli %add3A_151, %mul3A_216 : i32
          %dma_start3A_218 = arith.constant 0 : i32
          %dma_start3A_219 = arith.constant 0 : i32
          %dma_start3A_220 = arith.constant 0 : i32
          %dma_start3A_221 = tpu.memref_slice %arg11[%dma_start3A_218, %dma_start3A_219, %dma_start3A_220] : memref<2x16x128xf32, #tpu.memory_space<vmem>> -> memref<1x16x128xf32, #tpu.memory_space<vmem>>
          %dma_start3A_222 = tpu.memref_squeeze %dma_start3A_221 : memref<1x16x128xf32, #tpu.memory_space<vmem>> -> memref<16x128xf32, #tpu.memory_space<vmem>>
          %dma_start3A_223 = tpu.memref_slice %arg9[%mul3A_217] : memref<784xi32, #tpu.memory_space<vmem>> -> memref<16xi32, #tpu.memory_space<vmem>>
          %dma_start3A_224 = arith.constant 0 : i32
          %dma_start3A_225 = arith.constant 0 : i32
          %dma_start3A_226 = tpu.memref_slice %arg12[%dma_start3A_224, %dma_start3A_225] : memref<10000x128xf32, #tpu.memory_space<vmem_shared>> -> memref<10000x128xf32, #tpu.memory_space<vmem_shared>>
          tpu.enqueue_indirect_dma source(%dma_start3A_226 : memref<10000x128xf32, #tpu.memory_space<vmem_shared>>) target(%dma_start3A_222 : memref<16x128xf32, #tpu.memory_space<vmem>>) offsets(%dma_start3A_223 : memref<16xi32, #tpu.memory_space<vmem>>) semaphore(%arg15 : memref<!tpu.dma_semaphore, #tpu.memory_space<semaphore_mem>>)
        } else {
        }
        %lt3A_159 = arith.cmpi slt, %add3A_151, %select_n3A : i32
        %eq3A_160 = arith.constant 0 : i32
        %eq3A_161 = arith.cmpi eq, %and3A_149, %eq3A_160 : i32
        %and3A_162 = arith.andi %lt3A_159, %eq3A_161 : i1
        %convert_element_type3A_163 = arith.extui %and3A_162 : i1 to i32
        %cond3A_164 = arith.constant 0 : i32
        %cond3A_165 = arith.cmpi ne, %convert_element_type3A_163, %cond3A_164 : i32
        scf.if %cond3A_165 {
          %mul3A_216 = arith.constant 16 : i32
          %mul3A_217 = arith.muli %add3A_151, %mul3A_216 : i32
          %dma_start3A_218 = arith.constant 1 : i32
          %dma_start3A_219 = arith.constant 0 : i32
          %dma_start3A_220 = arith.constant 0 : i32
          %dma_start3A_221 = tpu.memref_slice %arg11[%dma_start3A_218, %dma_start3A_219, %dma_start3A_220] : memref<2x16x128xf32, #tpu.memory_space<vmem>> -> memref<1x16x128xf32, #tpu.memory_space<vmem>>
          %dma_start3A_222 = tpu.memref_squeeze %dma_start3A_221 : memref<1x16x128xf32, #tpu.memory_space<vmem>> -> memref<16x128xf32, #tpu.memory_space<vmem>>
          %dma_start3A_223 = tpu.memref_slice %arg9[%mul3A_217] : memref<784xi32, #tpu.memory_space<vmem>> -> memref<16xi32, #tpu.memory_space<vmem>>
          %dma_start3A_224 = arith.constant 0 : i32
          %dma_start3A_225 = arith.constant 0 : i32
          %dma_start3A_226 = tpu.memref_slice %arg12[%dma_start3A_224, %dma_start3A_225] : memref<10000x128xf32, #tpu.memory_space<vmem_shared>> -> memref<10000x128xf32, #tpu.memory_space<vmem_shared>>
          tpu.enqueue_indirect_dma source(%dma_start3A_226 : memref<10000x128xf32, #tpu.memory_space<vmem_shared>>) target(%dma_start3A_222 : memref<16x128xf32, #tpu.memory_space<vmem>>) offsets(%dma_start3A_223 : memref<16xi32, #tpu.memory_space<vmem>>) semaphore(%arg16 : memref<!tpu.dma_semaphore, #tpu.memory_space<semaphore_mem>>)
        } else {
        }
        %eq3A_166 = arith.constant 0 : i32
        %eq3A_167 = arith.cmpi eq, %and3A_149, %eq3A_166 : i32
        %convert_element_type3A_168 = arith.extui %eq3A_167 : i1 to i32
        %cond3A_169 = arith.constant 0 : i32
        %cond3A_170 = arith.cmpi ne, %convert_element_type3A_168, %cond3A_169 : i32
        scf.if %cond3A_170 {
          %mul3A_216 = arith.constant 16 : i32
          %mul3A_217 = arith.muli %while3A_147, %mul3A_216 : i32
          %dma_wait3A = arith.constant 0 : i32
          %dma_wait3A_218 = arith.constant 0 : i32
          %dma_wait3A_219 = arith.constant 0 : i32
          %dma_wait3A_220 = tpu.memref_slice %arg11[%dma_wait3A, %dma_wait3A_218, %dma_wait3A_219] : memref<2x16x128xf32, #tpu.memory_space<vmem>> -> memref<1x16x128xf32, #tpu.memory_space<vmem>>
          %dma_wait3A_221 = tpu.memref_squeeze %dma_wait3A_220 : memref<1x16x128xf32, #tpu.memory_space<vmem>> -> memref<16x128xf32, #tpu.memory_space<vmem>>
          %dma_wait3A_222 = tpu.memref_slice %arg9[%mul3A_217] : memref<784xi32, #tpu.memory_space<vmem>> -> memref<16xi32, #tpu.memory_space<vmem>>
          %dma_wait3A_223 = arith.constant 0 : i32
          %dma_wait3A_224 = arith.constant 0 : i32
          %dma_wait3A_225 = tpu.memref_slice %arg12[%dma_wait3A_223, %dma_wait3A_224] : memref<10000x128xf32, #tpu.memory_space<vmem_shared>> -> memref<10000x128xf32, #tpu.memory_space<vmem_shared>>
          tpu.wait_indirect_dma semaphore(%arg15 : memref<!tpu.dma_semaphore, #tpu.memory_space<semaphore_mem>>) src(%dma_wait3A_225 : memref<10000x128xf32, #tpu.memory_space<vmem_shared>>) dst(%dma_wait3A_221 : memref<16x128xf32, #tpu.memory_space<vmem>>)
        } else {
        }
        %eq3A_171 = arith.constant 1 : i32
        %eq3A_172 = arith.cmpi eq, %and3A_149, %eq3A_171 : i32
        %convert_element_type3A_173 = arith.extui %eq3A_172 : i1 to i32
        %cond3A_174 = arith.constant 0 : i32
        %cond3A_175 = arith.cmpi ne, %convert_element_type3A_173, %cond3A_174 : i32
        scf.if %cond3A_175 {
          %mul3A_216 = arith.constant 16 : i32
          %mul3A_217 = arith.muli %while3A_147, %mul3A_216 : i32
          %dma_wait3A = arith.constant 1 : i32
          %dma_wait3A_218 = arith.constant 0 : i32
          %dma_wait3A_219 = arith.constant 0 : i32
          %dma_wait3A_220 = tpu.memref_slice %arg11[%dma_wait3A, %dma_wait3A_218, %dma_wait3A_219] : memref<2x16x128xf32, #tpu.memory_space<vmem>> -> memref<1x16x128xf32, #tpu.memory_space<vmem>>
          %dma_wait3A_221 = tpu.memref_squeeze %dma_wait3A_220 : memref<1x16x128xf32, #tpu.memory_space<vmem>> -> memref<16x128xf32, #tpu.memory_space<vmem>>
          %dma_wait3A_222 = tpu.memref_slice %arg9[%mul3A_217] : memref<784xi32, #tpu.memory_space<vmem>> -> memref<16xi32, #tpu.memory_space<vmem>>
          %dma_wait3A_223 = arith.constant 0 : i32
          %dma_wait3A_224 = arith.constant 0 : i32
          %dma_wait3A_225 = tpu.memref_slice %arg12[%dma_wait3A_223, %dma_wait3A_224] : memref<10000x128xf32, #tpu.memory_space<vmem_shared>> -> memref<10000x128xf32, #tpu.memory_space<vmem_shared>>
          tpu.wait_indirect_dma semaphore(%arg16 : memref<!tpu.dma_semaphore, #tpu.memory_space<semaphore_mem>>) src(%dma_wait3A_225 : memref<10000x128xf32, #tpu.memory_space<vmem_shared>>) dst(%dma_wait3A_221 : memref<16x128xf32, #tpu.memory_space<vmem>>)
        } else {
        }
        %mul3A_176 = arith.constant 16 : i32
        %mul3A_177 = arith.muli %while3A_147, %mul3A_176 : i32
        %sub3A_178 = arith.subi %scan3A_111, %mul3A_177 : i32
        %min3A = arith.constant 16 : i32
        %min3A_179 = arith.minsi %sub3A_178, %min3A : i32
        %add3A_180 = arith.constant 1 : i32
        %add3A_181 = arith.addi %min3A_179, %add3A_180 : i32
        %jit3A_182 = arith.constant 2 : i32
        %div3A_183 = arith.divsi %add3A_181, %jit3A_182 : i32
        %sign3A_184 = arith.constant 0 : i32
        %sign3A_185 = arith.cmpi sgt, %add3A_181, %sign3A_184 : i32
        %sign3A_186 = arith.extui %sign3A_185 : i1 to i32
        %sign3A_187 = arith.constant 0 : i32
        %sign3A_188 = arith.cmpi slt, %add3A_181, %sign3A_187 : i32
        %sign3A_189 = arith.extui %sign3A_188 : i1 to i32
        %sign3A_190 = arith.subi %sign3A_186, %sign3A_189 : i32
        %sign3A_191 = arith.constant 0 : i32
        %sign3A_192 = arith.cmpi sgt, %jit3A_182, %sign3A_191 : i32
        %sign3A_193 = arith.extui %sign3A_192 : i1 to i32
        %sign3A_194 = arith.constant 0 : i32
        %sign3A_195 = arith.cmpi slt, %jit3A_182, %sign3A_194 : i32
        %sign3A_196 = arith.extui %sign3A_195 : i1 to i32
        %sign3A_197 = arith.subi %sign3A_193, %sign3A_196 : i32
        %ne3A_198 = arith.cmpi ne, %sign3A_190, %sign3A_197 : i32
        %rem3A_199 = arith.remsi %add3A_181, %jit3A_182 : i32
        %ne3A_200 = arith.constant 0 : i32
        %ne3A_201 = arith.cmpi ne, %rem3A_199, %ne3A_200 : i32
        %and3A_202 = arith.andi %ne3A_198, %ne3A_201 : i1
        %sub3A_203 = arith.constant 1 : i32
        %sub3A_204 = arith.subi %div3A_183, %sub3A_203 : i32
        %select_n3A_205 = arith.select %and3A_202, %sub3A_204, %div3A_183 : i32
        %while3A_206 = arith.constant 0 : i32
        %while3A_207 = arith.constant 0 : i32
        %while3A_208 = arith.subi %select_n3A_205, %while3A_207 : i32
        %while3A_209 = arith.addi %while3A_207, %while3A_208 : i32
        %while3A_210 = arith.constant 1 : i32
        %while3A_211 = arith.divsi %while3A_208, %while3A_210 : i32
        %while3A_212 = arith.muli %while3A_211, %while3A_210 : i32
        %while3A_213 = arith.addi %while3A_207, %while3A_212 : i32
        %while3A_214 = arith.constant 1 : i32
        scf.for %while3A_216 = %while3A_207 to %while3A_213 step %while3A_214  : i32 {
          %mul3A_217 = arith.constant 2 : i32
          %mul3A_218 = arith.muli %mul3A_217, %while3A_216 : i32
          %mul3A_219 = arith.constant 2 : i32
          %mul3A_220 = arith.muli %mul3A_219, %while3A_216 : i32
          %add3A_221 = arith.constant 1 : i32
          %add3A_222 = arith.addi %mul3A_220, %add3A_221 : i32
          %mul3A_223 = arith.constant 16 : i32
          %mul3A_224 = arith.muli %while3A_147, %mul3A_223 : i32
          %add3A_225 = arith.addi %mul3A_224, %mul3A_218 : i32
          %broadcast_in_dim3A_226 = vector.broadcast %add3A_225 : i32 to vector<16xi32>
          %gather3A = tpu.vector_load_idx %arg10[%broadcast_in_dim3A_226] : memref<784xi32, #tpu.memory_space<vmem>>[vector<16xi32>], vector<16xi32>,
          %add3A_227 = arith.constant 1 : i32
          %add3A_228 = arith.addi %add3A_225, %add3A_227 : i32
          %broadcast_in_dim3A_229 = vector.broadcast %add3A_228 : i32 to vector<16xi32>
          %gather3A_230 = tpu.vector_load_idx %arg10[%broadcast_in_dim3A_229] : memref<784xi32, #tpu.memory_space<vmem>>[vector<16xi32>], vector<16xi32>,
          %lt3A_231 = arith.cmpi slt, %add3A_222, %min3A_179 : i32
          %broadcast_in_dim3A_232 = vector.broadcast %lt3A_231 : i1 to vector<16xi1>
          %mul3A_233 = arith.constant 128 : i32
          %mul3A_234 = vector.broadcast %mul3A_233 : i32 to vector<16xi32>
          %mul3A_235 = arith.muli %gather3A, %mul3A_234 : vector<16xi32>
          %mul3A_236 = arith.constant 128 : i32
          %mul3A_237 = vector.broadcast %mul3A_236 : i32 to vector<16xi32>
          %mul3A_238 = arith.muli %gather3A_230, %mul3A_237 : vector<16xi32>
          %add3A_239 = arith.addi %mul3A_235, %add3A_14 : vector<16xi32>
          %add3A_240 = arith.addi %mul3A_238, %add3A_14 : vector<16xi32>
          %gather3A_241 = tpu.vector_load_idx %arg6[%add3A_239] : memref<40960xf32, #tpu.memory_space<vmem>>[vector<16xi32>], vector<16xf32>,
          %get3A = arith.index_cast %and3A_149 : i32 to index
          %get3A_242 = arith.index_cast %mul3A_218 : i32 to index
          %get3A_243 = arith.constant 0 : index
          %get3A_244 = tpu.vector_load %arg11[%get3A, %get3A_242, %get3A_243] {strides = array<i32>} : memref<2x16x128xf32, #tpu.memory_space<vmem>>, vector<16xf32>,
          %max3A = arith.maximumf %gather3A_241, %get3A_244 : vector<16xf32>
          tpu.vector_store_idx %arg6[%add3A_239], %max3A : memref<40960xf32, #tpu.memory_space<vmem>>[vector<16xi32>], vector<16xf32>,
          %gather3A_245 = tpu.vector_load_idx %arg6[%add3A_240] : memref<40960xf32, #tpu.memory_space<vmem>>[vector<16xi32>], vector<16xf32>,
          %get3A_246 = arith.index_cast %and3A_149 : i32 to index
          %get3A_247 = arith.index_cast %add3A_222 : i32 to index
          %get3A_248 = arith.constant 0 : index
          %get3A_249 = tpu.vector_load %arg11[%get3A_246, %get3A_247, %get3A_248] {strides = array<i32>} : memref<2x16x128xf32, #tpu.memory_space<vmem>>, vector<16xf32>,
          %max3A_250 = arith.maximumf %gather3A_245, %get3A_249 : vector<16xf32>
          tpu.vector_store_idx %arg6[%add3A_240], %max3A_250 masked %broadcast_in_dim3A_232 : memref<40960xf32, #tpu.memory_space<vmem>>[vector<16xi32>], vector<16xf32>, vector<16xi1>
          %add3A_251 = arith.addi %mul3A_235, %add3A_17 : vector<16xi32>
          %add3A_252 = arith.addi %mul3A_238, %add3A_17 : vector<16xi32>
          %gather3A_253 = tpu.vector_load_idx %arg6[%add3A_251] : memref<40960xf32, #tpu.memory_space<vmem>>[vector<16xi32>], vector<16xf32>,
          %get3A_254 = arith.index_cast %and3A_149 : i32 to index
          %get3A_255 = arith.index_cast %mul3A_218 : i32 to index
          %get3A_256 = arith.constant 16 : index
          %get3A_257 = tpu.vector_load %arg11[%get3A_254, %get3A_255, %get3A_256] {strides = array<i32>} : memref<2x16x128xf32, #tpu.memory_space<vmem>>, vector<16xf32>,
          %max3A_258 = arith.maximumf %gather3A_253, %get3A_257 : vector<16xf32>
          tpu.vector_store_idx %arg6[%add3A_251], %max3A_258 : memref<40960xf32, #tpu.memory_space<vmem>>[vector<16xi32>], vector<16xf32>,
          %gather3A_259 = tpu.vector_load_idx %arg6[%add3A_252] : memref<40960xf32, #tpu.memory_space<vmem>>[vector<16xi32>], vector<16xf32>,
          %get3A_260 = arith.index_cast %and3A_149 : i32 to index
          %get3A_261 = arith.index_cast %add3A_222 : i32 to index
          %get3A_262 = arith.constant 16 : index
          %get3A_263 = tpu.vector_load %arg11[%get3A_260, %get3A_261, %get3A_262] {strides = array<i32>} : memref<2x16x128xf32, #tpu.memory_space<vmem>>, vector<16xf32>,
          %max3A_264 = arith.maximumf %gather3A_259, %get3A_263 : vector<16xf32>
          tpu.vector_store_idx %arg6[%add3A_252], %max3A_264 masked %broadcast_in_dim3A_232 : memref<40960xf32, #tpu.memory_space<vmem>>[vector<16xi32>], vector<16xf32>, vector<16xi1>
          %add3A_265 = arith.addi %mul3A_235, %add3A_20 : vector<16xi32>
          %add3A_266 = arith.addi %mul3A_238, %add3A_20 : vector<16xi32>
          %gather3A_267 = tpu.vector_load_idx %arg6[%add3A_265] : memref<40960xf32, #tpu.memory_space<vmem>>[vector<16xi32>], vector<16xf32>,
          %get3A_268 = arith.index_cast %and3A_149 : i32 to index
          %get3A_269 = arith.index_cast %mul3A_218 : i32 to index
          %get3A_270 = arith.constant 32 : index
          %get3A_271 = tpu.vector_load %arg11[%get3A_268, %get3A_269, %get3A_270] {strides = array<i32>} : memref<2x16x128xf32, #tpu.memory_space<vmem>>, vector<16xf32>,
          %max3A_272 = arith.maximumf %gather3A_267, %get3A_271 : vector<16xf32>
          tpu.vector_store_idx %arg6[%add3A_265], %max3A_272 : memref<40960xf32, #tpu.memory_space<vmem>>[vector<16xi32>], vector<16xf32>,
          %gather3A_273 = tpu.vector_load_idx %arg6[%add3A_266] : memref<40960xf32, #tpu.memory_space<vmem>>[vector<16xi32>], vector<16xf32>,
          %get3A_274 = arith.index_cast %and3A_149 : i32 to index
          %get3A_275 = arith.index_cast %add3A_222 : i32 to index
          %get3A_276 = arith.constant 32 : index
          %get3A_277 = tpu.vector_load %arg11[%get3A_274, %get3A_275, %get3A_276] {strides = array<i32>} : memref<2x16x128xf32, #tpu.memory_space<vmem>>, vector<16xf32>,
          %max3A_278 = arith.maximumf %gather3A_273, %get3A_277 : vector<16xf32>
          tpu.vector_store_idx %arg6[%add3A_266], %max3A_278 masked %broadcast_in_dim3A_232 : memref<40960xf32, #tpu.memory_space<vmem>>[vector<16xi32>], vector<16xf32>, vector<16xi1>
          %add3A_279 = arith.addi %mul3A_235, %add3A_23 : vector<16xi32>
          %add3A_280 = arith.addi %mul3A_238, %add3A_23 : vector<16xi32>
          %gather3A_281 = tpu.vector_load_idx %arg6[%add3A_279] : memref<40960xf32, #tpu.memory_space<vmem>>[vector<16xi32>], vector<16xf32>,
          %get3A_282 = arith.index_cast %and3A_149 : i32 to index
          %get3A_283 = arith.index_cast %mul3A_218 : i32 to index
          %get3A_284 = arith.constant 48 : index
          %get3A_285 = tpu.vector_load %arg11[%get3A_282, %get3A_283, %get3A_284] {strides = array<i32>} : memref<2x16x128xf32, #tpu.memory_space<vmem>>, vector<16xf32>,
          %max3A_286 = arith.maximumf %gather3A_281, %get3A_285 : vector<16xf32>
          tpu.vector_store_idx %arg6[%add3A_279], %max3A_286 : memref<40960xf32, #tpu.memory_space<vmem>>[vector<16xi32>], vector<16xf32>,
          %gather3A_287 = tpu.vector_load_idx %arg6[%add3A_280] : memref<40960xf32, #tpu.memory_space<vmem>>[vector<16xi32>], vector<16xf32>,
          %get3A_288 = arith.index_cast %and3A_149 : i32 to index
          %get3A_289 = arith.index_cast %add3A_222 : i32 to index
          %get3A_290 = arith.constant 48 : index
          %get3A_291 = tpu.vector_load %arg11[%get3A_288, %get3A_289, %get3A_290] {strides = array<i32>} : memref<2x16x128xf32, #tpu.memory_space<vmem>>, vector<16xf32>,
          %max3A_292 = arith.maximumf %gather3A_287, %get3A_291 : vector<16xf32>
          tpu.vector_store_idx %arg6[%add3A_280], %max3A_292 masked %broadcast_in_dim3A_232 : memref<40960xf32, #tpu.memory_space<vmem>>[vector<16xi32>], vector<16xf32>, vector<16xi1>
          %add3A_293 = arith.addi %mul3A_235, %add3A_26 : vector<16xi32>
          %add3A_294 = arith.addi %mul3A_238, %add3A_26 : vector<16xi32>
          %gather3A_295 = tpu.vector_load_idx %arg6[%add3A_293] : memref<40960xf32, #tpu.memory_space<vmem>>[vector<16xi32>], vector<16xf32>,
          %get3A_296 = arith.index_cast %and3A_149 : i32 to index
          %get3A_297 = arith.index_cast %mul3A_218 : i32 to index
          %get3A_298 = arith.constant 64 : index
          %get3A_299 = tpu.vector_load %arg11[%get3A_296, %get3A_297, %get3A_298] {strides = array<i32>} : memref<2x16x128xf32, #tpu.memory_space<vmem>>, vector<16xf32>,
          %max3A_300 = arith.maximumf %gather3A_295, %get3A_299 : vector<16xf32>
          tpu.vector_store_idx %arg6[%add3A_293], %max3A_300 : memref<40960xf32, #tpu.memory_space<vmem>>[vector<16xi32>], vector<16xf32>,
          %gather3A_301 = tpu.vector_load_idx %arg6[%add3A_294] : memref<40960xf32, #tpu.memory_space<vmem>>[vector<16xi32>], vector<16xf32>,
          %get3A_302 = arith.index_cast %and3A_149 : i32 to index
          %get3A_303 = arith.index_cast %add3A_222 : i32 to index
          %get3A_304 = arith.constant 64 : index
          %get3A_305 = tpu.vector_load %arg11[%get3A_302, %get3A_303, %get3A_304] {strides = array<i32>} : memref<2x16x128xf32, #tpu.memory_space<vmem>>, vector<16xf32>,
          %max3A_306 = arith.maximumf %gather3A_301, %get3A_305 : vector<16xf32>
          tpu.vector_store_idx %arg6[%add3A_294], %max3A_306 masked %broadcast_in_dim3A_232 : memref<40960xf32, #tpu.memory_space<vmem>>[vector<16xi32>], vector<16xf32>, vector<16xi1>
          %add3A_307 = arith.addi %mul3A_235, %add3A_29 : vector<16xi32>
          %add3A_308 = arith.addi %mul3A_238, %add3A_29 : vector<16xi32>
          %gather3A_309 = tpu.vector_load_idx %arg6[%add3A_307] : memref<40960xf32, #tpu.memory_space<vmem>>[vector<16xi32>], vector<16xf32>,
          %get3A_310 = arith.index_cast %and3A_149 : i32 to index
          %get3A_311 = arith.index_cast %mul3A_218 : i32 to index
          %get3A_312 = arith.constant 80 : index
          %get3A_313 = tpu.vector_load %arg11[%get3A_310, %get3A_311, %get3A_312] {strides = array<i32>} : memref<2x16x128xf32, #tpu.memory_space<vmem>>, vector<16xf32>,
          %max3A_314 = arith.maximumf %gather3A_309, %get3A_313 : vector<16xf32>
          tpu.vector_store_idx %arg6[%add3A_307], %max3A_314 : memref<40960xf32, #tpu.memory_space<vmem>>[vector<16xi32>], vector<16xf32>,
          %gather3A_315 = tpu.vector_load_idx %arg6[%add3A_308] : memref<40960xf32, #tpu.memory_space<vmem>>[vector<16xi32>], vector<16xf32>,
          %get3A_316 = arith.index_cast %and3A_149 : i32 to index
          %get3A_317 = arith.index_cast %add3A_222 : i32 to index
          %get3A_318 = arith.constant 80 : index
          %get3A_319 = tpu.vector_load %arg11[%get3A_316, %get3A_317, %get3A_318] {strides = array<i32>} : memref<2x16x128xf32, #tpu.memory_space<vmem>>, vector<16xf32>,
          %max3A_320 = arith.maximumf %gather3A_315, %get3A_319 : vector<16xf32>
          tpu.vector_store_idx %arg6[%add3A_308], %max3A_320 masked %broadcast_in_dim3A_232 : memref<40960xf32, #tpu.memory_space<vmem>>[vector<16xi32>], vector<16xf32>, vector<16xi1>
          %add3A_321 = arith.addi %mul3A_235, %add3A_32 : vector<16xi32>
          %add3A_322 = arith.addi %mul3A_238, %add3A_32 : vector<16xi32>
          %gather3A_323 = tpu.vector_load_idx %arg6[%add3A_321] : memref<40960xf32, #tpu.memory_space<vmem>>[vector<16xi32>], vector<16xf32>,
          %get3A_324 = arith.index_cast %and3A_149 : i32 to index
          %get3A_325 = arith.index_cast %mul3A_218 : i32 to index
          %get3A_326 = arith.constant 96 : index
          %get3A_327 = tpu.vector_load %arg11[%get3A_324, %get3A_325, %get3A_326] {strides = array<i32>} : memref<2x16x128xf32, #tpu.memory_space<vmem>>, vector<16xf32>,
          %max3A_328 = arith.maximumf %gather3A_323, %get3A_327 : vector<16xf32>
          tpu.vector_store_idx %arg6[%add3A_321], %max3A_328 : memref<40960xf32, #tpu.memory_space<vmem>>[vector<16xi32>], vector<16xf32>,
          %gather3A_329 = tpu.vector_load_idx %arg6[%add3A_322] : memref<40960xf32, #tpu.memory_space<vmem>>[vector<16xi32>], vector<16xf32>,
          %get3A_330 = arith.index_cast %and3A_149 : i32 to index
          %get3A_331 = arith.index_cast %add3A_222 : i32 to index
          %get3A_332 = arith.constant 96 : index
          %get3A_333 = tpu.vector_load %arg11[%get3A_330, %get3A_331, %get3A_332] {strides = array<i32>} : memref<2x16x128xf32, #tpu.memory_space<vmem>>, vector<16xf32>,
          %max3A_334 = arith.maximumf %gather3A_329, %get3A_333 : vector<16xf32>
          tpu.vector_store_idx %arg6[%add3A_322], %max3A_334 masked %broadcast_in_dim3A_232 : memref<40960xf32, #tpu.memory_space<vmem>>[vector<16xi32>], vector<16xf32>, vector<16xi1>
          %add3A_335 = arith.addi %mul3A_235, %add3A_35 : vector<16xi32>
          %add3A_336 = arith.addi %mul3A_238, %add3A_35 : vector<16xi32>
          %gather3A_337 = tpu.vector_load_idx %arg6[%add3A_335] : memref<40960xf32, #tpu.memory_space<vmem>>[vector<16xi32>], vector<16xf32>,
          %get3A_338 = arith.index_cast %and3A_149 : i32 to index
          %get3A_339 = arith.index_cast %mul3A_218 : i32 to index
          %get3A_340 = arith.constant 112 : index
          %get3A_341 = tpu.vector_load %arg11[%get3A_338, %get3A_339, %get3A_340] {strides = array<i32>} : memref<2x16x128xf32, #tpu.memory_space<vmem>>, vector<16xf32>,
          %max3A_342 = arith.maximumf %gather3A_337, %get3A_341 : vector<16xf32>
          tpu.vector_store_idx %arg6[%add3A_335], %max3A_342 : memref<40960xf32, #tpu.memory_space<vmem>>[vector<16xi32>], vector<16xf32>,
          %gather3A_343 = tpu.vector_load_idx %arg6[%add3A_336] : memref<40960xf32, #tpu.memory_space<vmem>>[vector<16xi32>], vector<16xf32>,
          %get3A_344 = arith.index_cast %and3A_149 : i32 to index
          %get3A_345 = arith.index_cast %add3A_222 : i32 to index
          %get3A_346 = arith.constant 112 : index
          %get3A_347 = tpu.vector_load %arg11[%get3A_344, %get3A_345, %get3A_346] {strides = array<i32>} : memref<2x16x128xf32, #tpu.memory_space<vmem>>, vector<16xf32>,
          %max3A_348 = arith.maximumf %gather3A_343, %get3A_347 : vector<16xf32>
          tpu.vector_store_idx %arg6[%add3A_336], %max3A_348 masked %broadcast_in_dim3A_232 : memref<40960xf32, #tpu.memory_space<vmem>>[vector<16xi32>], vector<16xf32>, vector<16xi1>
        }
        %while3A_215 = arith.constant 1 : i32
        scf.for %while3A_216 = %while3A_213 to %while3A_209 step %while3A_215  : i32 {
          %mul3A_217 = arith.constant 2 : i32
          %mul3A_218 = arith.muli %mul3A_217, %while3A_216 : i32
          %mul3A_219 = arith.constant 2 : i32
          %mul3A_220 = arith.muli %mul3A_219, %while3A_216 : i32
          %add3A_221 = arith.constant 1 : i32
          %add3A_222 = arith.addi %mul3A_220, %add3A_221 : i32
          %mul3A_223 = arith.constant 16 : i32
          %mul3A_224 = arith.muli %while3A_147, %mul3A_223 : i32
          %add3A_225 = arith.addi %mul3A_224, %mul3A_218 : i32
          %broadcast_in_dim3A_226 = vector.broadcast %add3A_225 : i32 to vector<16xi32>
          %gather3A = tpu.vector_load_idx %arg10[%broadcast_in_dim3A_226] : memref<784xi32, #tpu.memory_space<vmem>>[vector<16xi32>], vector<16xi32>,
          %add3A_227 = arith.constant 1 : i32
          %add3A_228 = arith.addi %add3A_225, %add3A_227 : i32
          %broadcast_in_dim3A_229 = vector.broadcast %add3A_228 : i32 to vector<16xi32>
          %gather3A_230 = tpu.vector_load_idx %arg10[%broadcast_in_dim3A_229] : memref<784xi32, #tpu.memory_space<vmem>>[vector<16xi32>], vector<16xi32>,
          %lt3A_231 = arith.cmpi slt, %add3A_222, %min3A_179 : i32
          %broadcast_in_dim3A_232 = vector.broadcast %lt3A_231 : i1 to vector<16xi1>
          %mul3A_233 = arith.constant 128 : i32
          %mul3A_234 = vector.broadcast %mul3A_233 : i32 to vector<16xi32>
          %mul3A_235 = arith.muli %gather3A, %mul3A_234 : vector<16xi32>
          %mul3A_236 = arith.constant 128 : i32
          %mul3A_237 = vector.broadcast %mul3A_236 : i32 to vector<16xi32>
          %mul3A_238 = arith.muli %gather3A_230, %mul3A_237 : vector<16xi32>
          %add3A_239 = arith.addi %mul3A_235, %add3A_14 : vector<16xi32>
          %add3A_240 = arith.addi %mul3A_238, %add3A_14 : vector<16xi32>
          %gather3A_241 = tpu.vector_load_idx %arg6[%add3A_239] : memref<40960xf32, #tpu.memory_space<vmem>>[vector<16xi32>], vector<16xf32>,
          %get3A = arith.index_cast %and3A_149 : i32 to index
          %get3A_242 = arith.index_cast %mul3A_218 : i32 to index
          %get3A_243 = arith.constant 0 : index
          %get3A_244 = tpu.vector_load %arg11[%get3A, %get3A_242, %get3A_243] {strides = array<i32>} : memref<2x16x128xf32, #tpu.memory_space<vmem>>, vector<16xf32>,
          %max3A = arith.maximumf %gather3A_241, %get3A_244 : vector<16xf32>
          tpu.vector_store_idx %arg6[%add3A_239], %max3A : memref<40960xf32, #tpu.memory_space<vmem>>[vector<16xi32>], vector<16xf32>,
          %gather3A_245 = tpu.vector_load_idx %arg6[%add3A_240] : memref<40960xf32, #tpu.memory_space<vmem>>[vector<16xi32>], vector<16xf32>,
          %get3A_246 = arith.index_cast %and3A_149 : i32 to index
          %get3A_247 = arith.index_cast %add3A_222 : i32 to index
          %get3A_248 = arith.constant 0 : index
          %get3A_249 = tpu.vector_load %arg11[%get3A_246, %get3A_247, %get3A_248] {strides = array<i32>} : memref<2x16x128xf32, #tpu.memory_space<vmem>>, vector<16xf32>,
          %max3A_250 = arith.maximumf %gather3A_245, %get3A_249 : vector<16xf32>
          tpu.vector_store_idx %arg6[%add3A_240], %max3A_250 masked %broadcast_in_dim3A_232 : memref<40960xf32, #tpu.memory_space<vmem>>[vector<16xi32>], vector<16xf32>, vector<16xi1>
          %add3A_251 = arith.addi %mul3A_235, %add3A_17 : vector<16xi32>
          %add3A_252 = arith.addi %mul3A_238, %add3A_17 : vector<16xi32>
          %gather3A_253 = tpu.vector_load_idx %arg6[%add3A_251] : memref<40960xf32, #tpu.memory_space<vmem>>[vector<16xi32>], vector<16xf32>,
          %get3A_254 = arith.index_cast %and3A_149 : i32 to index
          %get3A_255 = arith.index_cast %mul3A_218 : i32 to index
          %get3A_256 = arith.constant 16 : index
          %get3A_257 = tpu.vector_load %arg11[%get3A_254, %get3A_255, %get3A_256] {strides = array<i32>} : memref<2x16x128xf32, #tpu.memory_space<vmem>>, vector<16xf32>,
          %max3A_258 = arith.maximumf %gather3A_253, %get3A_257 : vector<16xf32>
          tpu.vector_store_idx %arg6[%add3A_251], %max3A_258 : memref<40960xf32, #tpu.memory_space<vmem>>[vector<16xi32>], vector<16xf32>,
          %gather3A_259 = tpu.vector_load_idx %arg6[%add3A_252] : memref<40960xf32, #tpu.memory_space<vmem>>[vector<16xi32>], vector<16xf32>,
          %get3A_260 = arith.index_cast %and3A_149 : i32 to index
          %get3A_261 = arith.index_cast %add3A_222 : i32 to index
          %get3A_262 = arith.constant 16 : index
          %get3A_263 = tpu.vector_load %arg11[%get3A_260, %get3A_261, %get3A_262] {strides = array<i32>} : memref<2x16x128xf32, #tpu.memory_space<vmem>>, vector<16xf32>,
          %max3A_264 = arith.maximumf %gather3A_259, %get3A_263 : vector<16xf32>
          tpu.vector_store_idx %arg6[%add3A_252], %max3A_264 masked %broadcast_in_dim3A_232 : memref<40960xf32, #tpu.memory_space<vmem>>[vector<16xi32>], vector<16xf32>, vector<16xi1>
          %add3A_265 = arith.addi %mul3A_235, %add3A_20 : vector<16xi32>
          %add3A_266 = arith.addi %mul3A_238, %add3A_20 : vector<16xi32>
          %gather3A_267 = tpu.vector_load_idx %arg6[%add3A_265] : memref<40960xf32, #tpu.memory_space<vmem>>[vector<16xi32>], vector<16xf32>,
          %get3A_268 = arith.index_cast %and3A_149 : i32 to index
          %get3A_269 = arith.index_cast %mul3A_218 : i32 to index
          %get3A_270 = arith.constant 32 : index
          %get3A_271 = tpu.vector_load %arg11[%get3A_268, %get3A_269, %get3A_270] {strides = array<i32>} : memref<2x16x128xf32, #tpu.memory_space<vmem>>, vector<16xf32>,
          %max3A_272 = arith.maximumf %gather3A_267, %get3A_271 : vector<16xf32>
          tpu.vector_store_idx %arg6[%add3A_265], %max3A_272 : memref<40960xf32, #tpu.memory_space<vmem>>[vector<16xi32>], vector<16xf32>,
          %gather3A_273 = tpu.vector_load_idx %arg6[%add3A_266] : memref<40960xf32, #tpu.memory_space<vmem>>[vector<16xi32>], vector<16xf32>,
          %get3A_274 = arith.index_cast %and3A_149 : i32 to index
          %get3A_275 = arith.index_cast %add3A_222 : i32 to index
          %get3A_276 = arith.constant 32 : index
          %get3A_277 = tpu.vector_load %arg11[%get3A_274, %get3A_275, %get3A_276] {strides = array<i32>} : memref<2x16x128xf32, #tpu.memory_space<vmem>>, vector<16xf32>,
          %max3A_278 = arith.maximumf %gather3A_273, %get3A_277 : vector<16xf32>
          tpu.vector_store_idx %arg6[%add3A_266], %max3A_278 masked %broadcast_in_dim3A_232 : memref<40960xf32, #tpu.memory_space<vmem>>[vector<16xi32>], vector<16xf32>, vector<16xi1>
          %add3A_279 = arith.addi %mul3A_235, %add3A_23 : vector<16xi32>
          %add3A_280 = arith.addi %mul3A_238, %add3A_23 : vector<16xi32>
          %gather3A_281 = tpu.vector_load_idx %arg6[%add3A_279] : memref<40960xf32, #tpu.memory_space<vmem>>[vector<16xi32>], vector<16xf32>,
          %get3A_282 = arith.index_cast %and3A_149 : i32 to index
          %get3A_283 = arith.index_cast %mul3A_218 : i32 to index
          %get3A_284 = arith.constant 48 : index
          %get3A_285 = tpu.vector_load %arg11[%get3A_282, %get3A_283, %get3A_284] {strides = array<i32>} : memref<2x16x128xf32, #tpu.memory_space<vmem>>, vector<16xf32>,
          %max3A_286 = arith.maximumf %gather3A_281, %get3A_285 : vector<16xf32>
          tpu.vector_store_idx %arg6[%add3A_279], %max3A_286 : memref<40960xf32, #tpu.memory_space<vmem>>[vector<16xi32>], vector<16xf32>,
          %gather3A_287 = tpu.vector_load_idx %arg6[%add3A_280] : memref<40960xf32, #tpu.memory_space<vmem>>[vector<16xi32>], vector<16xf32>,
          %get3A_288 = arith.index_cast %and3A_149 : i32 to index
          %get3A_289 = arith.index_cast %add3A_222 : i32 to index
          %get3A_290 = arith.constant 48 : index
          %get3A_291 = tpu.vector_load %arg11[%get3A_288, %get3A_289, %get3A_290] {strides = array<i32>} : memref<2x16x128xf32, #tpu.memory_space<vmem>>, vector<16xf32>,
          %max3A_292 = arith.maximumf %gather3A_287, %get3A_291 : vector<16xf32>
          tpu.vector_store_idx %arg6[%add3A_280], %max3A_292 masked %broadcast_in_dim3A_232 : memref<40960xf32, #tpu.memory_space<vmem>>[vector<16xi32>], vector<16xf32>, vector<16xi1>
          %add3A_293 = arith.addi %mul3A_235, %add3A_26 : vector<16xi32>
          %add3A_294 = arith.addi %mul3A_238, %add3A_26 : vector<16xi32>
          %gather3A_295 = tpu.vector_load_idx %arg6[%add3A_293] : memref<40960xf32, #tpu.memory_space<vmem>>[vector<16xi32>], vector<16xf32>,
          %get3A_296 = arith.index_cast %and3A_149 : i32 to index
          %get3A_297 = arith.index_cast %mul3A_218 : i32 to index
          %get3A_298 = arith.constant 64 : index
          %get3A_299 = tpu.vector_load %arg11[%get3A_296, %get3A_297, %get3A_298] {strides = array<i32>} : memref<2x16x128xf32, #tpu.memory_space<vmem>>, vector<16xf32>,
          %max3A_300 = arith.maximumf %gather3A_295, %get3A_299 : vector<16xf32>
          tpu.vector_store_idx %arg6[%add3A_293], %max3A_300 : memref<40960xf32, #tpu.memory_space<vmem>>[vector<16xi32>], vector<16xf32>,
          %gather3A_301 = tpu.vector_load_idx %arg6[%add3A_294] : memref<40960xf32, #tpu.memory_space<vmem>>[vector<16xi32>], vector<16xf32>,
          %get3A_302 = arith.index_cast %and3A_149 : i32 to index
          %get3A_303 = arith.index_cast %add3A_222 : i32 to index
          %get3A_304 = arith.constant 64 : index
          %get3A_305 = tpu.vector_load %arg11[%get3A_302, %get3A_303, %get3A_304] {strides = array<i32>} : memref<2x16x128xf32, #tpu.memory_space<vmem>>, vector<16xf32>,
          %max3A_306 = arith.maximumf %gather3A_301, %get3A_305 : vector<16xf32>
          tpu.vector_store_idx %arg6[%add3A_294], %max3A_306 masked %broadcast_in_dim3A_232 : memref<40960xf32, #tpu.memory_space<vmem>>[vector<16xi32>], vector<16xf32>, vector<16xi1>
          %add3A_307 = arith.addi %mul3A_235, %add3A_29 : vector<16xi32>
          %add3A_308 = arith.addi %mul3A_238, %add3A_29 : vector<16xi32>
          %gather3A_309 = tpu.vector_load_idx %arg6[%add3A_307] : memref<40960xf32, #tpu.memory_space<vmem>>[vector<16xi32>], vector<16xf32>,
          %get3A_310 = arith.index_cast %and3A_149 : i32 to index
          %get3A_311 = arith.index_cast %mul3A_218 : i32 to index
          %get3A_312 = arith.constant 80 : index
          %get3A_313 = tpu.vector_load %arg11[%get3A_310, %get3A_311, %get3A_312] {strides = array<i32>} : memref<2x16x128xf32, #tpu.memory_space<vmem>>, vector<16xf32>,
          %max3A_314 = arith.maximumf %gather3A_309, %get3A_313 : vector<16xf32>
          tpu.vector_store_idx %arg6[%add3A_307], %max3A_314 : memref<40960xf32, #tpu.memory_space<vmem>>[vector<16xi32>], vector<16xf32>,
          %gather3A_315 = tpu.vector_load_idx %arg6[%add3A_308] : memref<40960xf32, #tpu.memory_space<vmem>>[vector<16xi32>], vector<16xf32>,
          %get3A_316 = arith.index_cast %and3A_149 : i32 to index
          %get3A_317 = arith.index_cast %add3A_222 : i32 to index
          %get3A_318 = arith.constant 80 : index
          %get3A_319 = tpu.vector_load %arg11[%get3A_316, %get3A_317, %get3A_318] {strides = array<i32>} : memref<2x16x128xf32, #tpu.memory_space<vmem>>, vector<16xf32>,
          %max3A_320 = arith.maximumf %gather3A_315, %get3A_319 : vector<16xf32>
          tpu.vector_store_idx %arg6[%add3A_308], %max3A_320 masked %broadcast_in_dim3A_232 : memref<40960xf32, #tpu.memory_space<vmem>>[vector<16xi32>], vector<16xf32>, vector<16xi1>
          %add3A_321 = arith.addi %mul3A_235, %add3A_32 : vector<16xi32>
          %add3A_322 = arith.addi %mul3A_238, %add3A_32 : vector<16xi32>
          %gather3A_323 = tpu.vector_load_idx %arg6[%add3A_321] : memref<40960xf32, #tpu.memory_space<vmem>>[vector<16xi32>], vector<16xf32>,
          %get3A_324 = arith.index_cast %and3A_149 : i32 to index
          %get3A_325 = arith.index_cast %mul3A_218 : i32 to index
          %get3A_326 = arith.constant 96 : index
          %get3A_327 = tpu.vector_load %arg11[%get3A_324, %get3A_325, %get3A_326] {strides = array<i32>} : memref<2x16x128xf32, #tpu.memory_space<vmem>>, vector<16xf32>,
          %max3A_328 = arith.maximumf %gather3A_323, %get3A_327 : vector<16xf32>
          tpu.vector_store_idx %arg6[%add3A_321], %max3A_328 : memref<40960xf32, #tpu.memory_space<vmem>>[vector<16xi32>], vector<16xf32>,
          %gather3A_329 = tpu.vector_load_idx %arg6[%add3A_322] : memref<40960xf32, #tpu.memory_space<vmem>>[vector<16xi32>], vector<16xf32>,
          %get3A_330 = arith.index_cast %and3A_149 : i32 to index
          %get3A_331 = arith.index_cast %add3A_222 : i32 to index
          %get3A_332 = arith.constant 96 : index
          %get3A_333 = tpu.vector_load %arg11[%get3A_330, %get3A_331, %get3A_332] {strides = array<i32>} : memref<2x16x128xf32, #tpu.memory_space<vmem>>, vector<16xf32>,
          %max3A_334 = arith.maximumf %gather3A_329, %get3A_333 : vector<16xf32>
          tpu.vector_store_idx %arg6[%add3A_322], %max3A_334 masked %broadcast_in_dim3A_232 : memref<40960xf32, #tpu.memory_space<vmem>>[vector<16xi32>], vector<16xf32>, vector<16xi1>
          %add3A_335 = arith.addi %mul3A_235, %add3A_35 : vector<16xi32>
          %add3A_336 = arith.addi %mul3A_238, %add3A_35 : vector<16xi32>
          %gather3A_337 = tpu.vector_load_idx %arg6[%add3A_335] : memref<40960xf32, #tpu.memory_space<vmem>>[vector<16xi32>], vector<16xf32>,
          %get3A_338 = arith.index_cast %and3A_149 : i32 to index
          %get3A_339 = arith.index_cast %mul3A_218 : i32 to index
          %get3A_340 = arith.constant 112 : index
          %get3A_341 = tpu.vector_load %arg11[%get3A_338, %get3A_339, %get3A_340] {strides = array<i32>} : memref<2x16x128xf32, #tpu.memory_space<vmem>>, vector<16xf32>,
          %max3A_342 = arith.maximumf %gather3A_337, %get3A_341 : vector<16xf32>
          tpu.vector_store_idx %arg6[%add3A_335], %max3A_342 : memref<40960xf32, #tpu.memory_space<vmem>>[vector<16xi32>], vector<16xf32>,
          %gather3A_343 = tpu.vector_load_idx %arg6[%add3A_336] : memref<40960xf32, #tpu.memory_space<vmem>>[vector<16xi32>], vector<16xf32>,
          %get3A_344 = arith.index_cast %and3A_149 : i32 to index
          %get3A_345 = arith.index_cast %add3A_222 : i32 to index
          %get3A_346 = arith.constant 112 : index
          %get3A_347 = tpu.vector_load %arg11[%get3A_344, %get3A_345, %get3A_346] {strides = array<i32>} : memref<2x16x128xf32, #tpu.memory_space<vmem>>, vector<16xf32>,
          %max3A_348 = arith.maximumf %gather3A_343, %get3A_347 : vector<16xf32>
          tpu.vector_store_idx %arg6[%add3A_336], %max3A_348 masked %broadcast_in_dim3A_232 : memref<40960xf32, #tpu.memory_space<vmem>>[vector<16xi32>], vector<16xf32>, vector<16xi1>
        }
      }
    }
    %scan3A_73 = arith.constant 417 : i32
    %mul3A_74 = arith.constant 128 : i32
    %mul3A_75 = arith.muli %mul3A_2, %mul3A_74 : i32
    "tpu.region"() ({
      %run_scoped3A = tpu.sem_alloc : memref<!tpu.dma_semaphore, #tpu.memory_space<semaphore_mem>>
      %dma_start3A_76 = tpu.memref_slice %arg5[%mul3A_75] : memref<1310720xf32, #tpu.memory_space<hbm>> -> memref<40960xf32, #tpu.memory_space<hbm>>
      %dma_start3A_77 = tpu.memref_slice %arg5[%mul3A_75] : memref<1310720xf32, #tpu.memory_space<hbm>> -> memref<40960xf32, #tpu.memory_space<hbm>>
      tpu.enqueue_dma source(%arg6 : memref<40960xf32, #tpu.memory_space<vmem>>) target(%dma_start3A_77 : memref<40960xf32, #tpu.memory_space<hbm>>) target_semaphore(%run_scoped3A : memref<!tpu.dma_semaphore, #tpu.memory_space<semaphore_mem>>)
      %dma_wait3A = tpu.memref_slice %arg5[%mul3A_75] : memref<1310720xf32, #tpu.memory_space<hbm>> -> memref<40960xf32, #tpu.memory_space<hbm>>
      %dma_wait3A_78 = tpu.memref_slice %arg5[%mul3A_75] : memref<1310720xf32, #tpu.memory_space<hbm>> -> memref<40960xf32, #tpu.memory_space<hbm>>
      tpu.wait_dma2 semaphore(%run_scoped3A : memref<!tpu.dma_semaphore, #tpu.memory_space<semaphore_mem>>) src(%arg6 : memref<40960xf32, #tpu.memory_space<vmem>>) dst(%dma_wait3A_78 : memref<40960xf32, #tpu.memory_space<hbm>>)
      tpu.yield
    }) : () -> ()
    return
  }
}

module attributes {stable_mosaic.version = 14 : i64} {
  func.func @_g_body(%arg0: i32, %arg1: memref<128x1024xf32, #tpu.memory_space<vmem>>, %arg2: memref<256x128xf32, #tpu.memory_space<vmem>>, %arg3: memref<1024x128xf32, #tpu.memory_space<vmem>>) attributes {dimension_semantics = [#tpu.dimension_semantics<arbitrary>], iteration_bounds = array<i64: 10>, scalar_prefetch = 0 : i64, scratch_operands = 0 : i64, tpu.core_type = #tpu.core_type<tc>, window_params = [{transform_indices = @transform_0, window_bounds = array<i64: 128, 1024>}, {pipeline_mode = #tpu.pipeline_mode<synchronous>, transform_indices = @transform_1, window_bounds = array<i64: 256, 128>}, {transform_indices = @transform_2, window_bounds = array<i64: 1024, 128>}]} {
    %get3A = arith.constant 0 : index
    %get3A_0 = arith.constant 0 : index
    %get3A_1 = vector.load %arg1[%get3A, %get3A_0] : memref<128x1024xf32, #tpu.memory_space<vmem>>, vector<128x1024xf32>
    %get3A_2 = arith.constant 128 : index
    %get3A_3 = arith.constant 0 : index
    %get3A_4 = vector.load %arg2[%get3A_2, %get3A_3] : memref<256x128xf32, #tpu.memory_space<vmem>>, vector<128x128xf32>
    %dot_general3A = arith.constant dense<0.000000e+00> : vector<1024x128xf32>
    %dot_general3A_5 = tpu.matmul %get3A_1, %get3A_4, %dot_general3A {dimension_numbers = #tpu.dot_dimension_numbers<[0], [0], [1], [1], [0, 1, 1, 1], [], []>, transpose_lhs_hint = false} : vector<128x1024xf32>, vector<128x128xf32>, vector<1024x128xf32> -> vector<1024x128xf32>
    %swap3A = arith.constant 0 : index
    %swap3A_6 = arith.constant 0 : index
    %swap3A_7 = vector.load %arg3[%swap3A, %swap3A_6] : memref<1024x128xf32, #tpu.memory_space<vmem>>, vector<1024x128xf32>
    tpu.vector_store %arg3[%swap3A, %swap3A_6], %dot_general3A_5 {strides = array<i32>} : memref<1024x128xf32, #tpu.memory_space<vmem>>, vector<1024x128xf32>,
    return
  }
  func.func @transform_0(%arg0: i32) -> (i32, i32) {
    %c0_i32 = arith.constant 0 : i32
    %c0_i32_0 = arith.constant 0 : i32
    return %c0_i32, %arg0 : i32, i32
  }
  func.func @transform_1(%arg0: i32) -> (i32, i32) {
    %c0_i32 = arith.constant 0 : i32
    %c0_i32_0 = arith.constant 0 : i32
    %c0_i32_1 = arith.constant 0 : i32
    return %c0_i32, %c0_i32_0 : i32, i32
  }
  func.func @transform_2(%arg0: i32) -> (i32, i32) {
    %c0_i32 = arith.constant 0 : i32
    %c0_i32_0 = arith.constant 0 : i32
    return %arg0, %c0_i32 : i32, i32
  }
}

module attributes {stable_mosaic.version = 14 : i64} {
  func.func @_ep_body(%arg0: i32, %arg1: memref<128x1024xf32, #tpu.memory_space<vmem>>, %arg2: memref<256x128xf32, #tpu.memory_space<vmem>>, %arg3: memref<1x128xf32, #tpu.memory_space<vmem>>, %arg4: memref<1024x128xf32, #tpu.memory_space<vmem>>, %arg5: memref<1024x128xf32, #tpu.memory_space<vmem>>) attributes {dimension_semantics = [#tpu.dimension_semantics<arbitrary>], iteration_bounds = array<i64: 10>, scalar_prefetch = 0 : i64, scratch_operands = 0 : i64, tpu.core_type = #tpu.core_type<tc>, window_params = [{transform_indices = @transform_0, window_bounds = array<i64: 128, 1024>}, {pipeline_mode = #tpu.pipeline_mode<synchronous>, transform_indices = @transform_1, window_bounds = array<i64: 256, 128>}, {pipeline_mode = #tpu.pipeline_mode<synchronous>, transform_indices = @transform_2, window_bounds = array<i64: 1, 128>}, {transform_indices = @transform_3, window_bounds = array<i64: 1024, 128>}, {transform_indices = @transform_4, window_bounds = array<i64: 1024, 128>}]} {
    %get3A = arith.constant 0 : index
    %get3A_0 = arith.constant 0 : index
    %get3A_1 = vector.load %arg1[%get3A, %get3A_0] : memref<128x1024xf32, #tpu.memory_space<vmem>>, vector<128x1024xf32>
    %get3A_2 = arith.constant 0 : index
    %get3A_3 = arith.constant 0 : index
    %get3A_4 = vector.load %arg2[%get3A_2, %get3A_3] : memref<256x128xf32, #tpu.memory_space<vmem>>, vector<128x128xf32>
    %get3A_5 = arith.constant 128 : index
    %get3A_6 = arith.constant 0 : index
    %get3A_7 = vector.load %arg2[%get3A_5, %get3A_6] : memref<256x128xf32, #tpu.memory_space<vmem>>, vector<128x128xf32>
    %sub3A = arith.subf %get3A_4, %get3A_7 : vector<128x128xf32>
    %dot_general3A = arith.constant dense<0.000000e+00> : vector<1024x128xf32>
    %dot_general3A_8 = tpu.matmul %get3A_1, %sub3A, %dot_general3A {dimension_numbers = #tpu.dot_dimension_numbers<[0], [0], [1], [1], [0, 1, 1, 1], [], []>, transpose_lhs_hint = false} : vector<128x1024xf32>, vector<128x128xf32>, vector<1024x128xf32> -> vector<1024x128xf32>
    %get3A_9 = arith.constant 0 : index
    %get3A_10 = arith.constant 0 : index
    %get3A_11 = vector.load %arg3[%get3A_9, %get3A_10] : memref<1x128xf32, #tpu.memory_space<vmem>>, vector<1x128xf32>
    %add3A = vector.broadcast %get3A_11 : vector<1x128xf32> to vector<1024x128xf32>
    %add3A_12 = arith.addf %dot_general3A_8, %add3A : vector<1024x128xf32>
    %get3A_13 = arith.constant 0 : index
    %get3A_14 = arith.constant 0 : index
    %get3A_15 = vector.load %arg4[%get3A_13, %get3A_14] : memref<1024x128xf32, #tpu.memory_space<vmem>>, vector<1024x128xf32>
    %add3A_16 = arith.addf %add3A_12, %get3A_15 : vector<1024x128xf32>
    %max3A = arith.constant 0.000000e+00 : f32
    %max3A_17 = vector.broadcast %max3A : f32 to vector<1024x128xf32>
    %max3A_18 = arith.maximumf %add3A_16, %max3A_17 : vector<1024x128xf32>
    %swap3A = arith.constant 0 : index
    %swap3A_19 = arith.constant 0 : index
    %swap3A_20 = vector.load %arg5[%swap3A, %swap3A_19] : memref<1024x128xf32, #tpu.memory_space<vmem>>, vector<1024x128xf32>
    tpu.vector_store %arg5[%swap3A, %swap3A_19], %max3A_18 {strides = array<i32>} : memref<1024x128xf32, #tpu.memory_space<vmem>>, vector<1024x128xf32>,
    return
  }
  func.func @transform_0(%arg0: i32) -> (i32, i32) {
    %c0_i32 = arith.constant 0 : i32
    %c0_i32_0 = arith.constant 0 : i32
    return %c0_i32, %arg0 : i32, i32
  }
  func.func @transform_1(%arg0: i32) -> (i32, i32) {
    %c0_i32 = arith.constant 0 : i32
    %c0_i32_0 = arith.constant 0 : i32
    %c0_i32_1 = arith.constant 0 : i32
    return %c0_i32, %c0_i32_0 : i32, i32
  }
  func.func @transform_2(%arg0: i32) -> (i32, i32) {
    %c0_i32 = arith.constant 0 : i32
    %c0_i32_0 = arith.constant 0 : i32
    %c0_i32_1 = arith.constant 0 : i32
    return %c0_i32, %c0_i32_0 : i32, i32
  }
  func.func @transform_3(%arg0: i32) -> (i32, i32) {
    %c0_i32 = arith.constant 0 : i32
    %c0_i32_0 = arith.constant 0 : i32
    return %arg0, %c0_i32 : i32, i32
  }
  func.func @transform_4(%arg0: i32) -> (i32, i32) {
    %c0_i32 = arith.constant 0 : i32
    %c0_i32_0 = arith.constant 0 : i32
    return %arg0, %c0_i32 : i32, i32
  }
}

</mosaic_0001>

<sc_bundles>
// kernel: kernel.5.cloned.1.call-start
scs
__scs_entry_jumppad:
0x0: {  	(pc) =	sbr.rel $0x88, $3  }
0x1: {  	(tag) =	ssettag $0x0;
	lr =	simm.s32 $0x1  }
0x2: {  	[smem:$0x3F9D] =	sst lr;
	_ =	strace $0xD0000000  }
0x3: {  	_ = 	snop  }
0x4: {  	_ = 	snop  }
0x5: {  	_ = 	snop  }
0x6: {  	_ = 	snop  }
0x7: {  	_ = 	snop  }
__scs_overlays_trampoline_lowered:
0x8: {  	[smem:$0x3FAC] =	sst s0  }
0x9: {  	[smem:$0x3FAD] =	sst s1  }
0xa: {  	[smem:$0x3FAE] =	sst s2  }
0xb: {  	[smem:$0x3FAF] =	sst s3  }
0xc: {  	[smem:$0x3FB0] =	sst s4  }
0xd: {  	[smem:$0x3FB1] =	sst s5  }
0xe: {  	[smem:$0x3FB2] =	sst s6  }
0xf: {  	[smem:$0x3FB3] =	sst s7  }
0x10: {  	[smem:$0x3FB4] =	sst s8  }
0x11: {  	[smem:$0x3FB5] =	sst s9;
	s0 =	simm.s32 @!p0 $0x0  }
0x12: {  	s1 =	sld [smem:$0x3F9B];
	s0 =	simm.s32 @p0 $0x1  }
0x13: {  	[smem:$0x3FB6] =	sst s0;
	s0 =	simm.s32 @!p1 $0x0  }
0x14: {  	s2 =	sld [smem:$0x3F9A];
	s0 =	simm.s32 @p1 $0x1  }
0x15: {  	[smem:$0x3FB7] =	sst s0;
	s0 =	simm.s32 @!p2 $0x0  }
0x16: {  	s3 =	sld [smem:$0x3FDB];
	s0 =	simm.s32 @p2 $0x1  }
0x17: {  	s4 =	simm.s32 $0x1BF5;
	[smem:$0x3FB9] =	sst s0  }
0x18: {  	s0 =	sld [smem:$0x3F9C];
	_ =	swait.ge [sflag:s4], $0x0  }
0x19: {  	s7 =	sld [smem:$0x3F9D]  }
0x1a: {  	s8 =	sadd.s32 $0xFFFFE003, lr  }
0x1b: {  	s9 =	sadd.s32 $0xFFFFFEF7, lr;
	s5 =	simm.s32 $0xFFFFFFFF;
	p2 =	slt.u32 s8, $0xFFFFF086  }
0x1c: {  	p1 =	slt.u32 s9, $0xF7A;
	s5 =	simm.s32 @!p2 $0x0  }
0x1d: {  	s5 =	simm.s32 @p1 $0x1;
	p0 =	seq.s32 s7, s2  }
0x1e: {  	s7 =	smul.u32 @!p0 $0xF7A, s2;
	p2 =	seq.s32 @!p0 s5, $0x0  }
0x1f: {  	s9 =	smul.u32 $0xF7A, s1;
	s8 =	simm.s32 @!p0 $0x1BF5;
	p2 =	por !p2, p0  }
0x20: {  	[sflag:s8] =	ssyncset.s32 @!p0 $0xFFFFF086;
	s6 =	sadd.s32 @!p0 s3, s7;
	s7 =	simm.s32 @!p0 $0x108  }
0x21: {  	s3 =	sadd.s32 s3, s9;
	s6 =	sadd.s32 @!p0 $0x88, s6;
	s7 =	simm.s32 @p2 $0x1082  }
0x22: {  	[simem:s7], [sflag:s8] =	dma.local @!p0 [hbm:s6], $0xF7A  }
0x23: {  	s9 =	sor.u32 $0xD0000000, s2;
	s6 =	simm.s32 $0x108;
	_ =	swait.ge @!p0 [sflag:s8], $0x0  }
0x24: {  	s3 =	sadd.s32 $0x88, s3;
	s6 =	simm.s32 @!p1 $0x1082;
	[sflag:s4] =	ssyncset.s32 $0xFFFFF086  }
0x25: {  	[simem:s6], [sflag:s4] =	dma.local [hbm:s3], $0xF7A  }
0x26: {  	[smem:$0x3F9D] =	sst s1;
	(tag) =	ssettag s2;
	_ =	strace s9  }
0x27: {  	s1 =	sld [smem:$0x3FAD]  }
0x28: {  	s2 =	sld [smem:$0x3FAE]  }
0x29: {  	s4 =	sld [smem:$0x3FB0]  }
0x2a: {  	p0 =	seq.s32 s5, $0x0;
	s5 =	sld [smem:$0x3FB1]  }
0x2b: {  	s6 =	sld [smem:$0x3FB2]  }
0x2c: {  	s7 =	sld [smem:$0x3FB3]  }
0x2d: {  	s3 =	simm.s32 $0x108;
	s8 =	sld [smem:$0x3FB4]  }
0x2e: {  	s3 =	simm.s32 @!p0 $0x1082;
	s9 =	sld [smem:$0x3FB5]  }
0x2f: {  	lr =	sadd.s32 s0, s3;
	s0 =	sld [smem:$0x3FAC]  }
0x30: {  	s3 =	sld [smem:$0x3FAF]  }
0x31: {  	[smem:$0x3FB8] =	sst s10  }
0x32: {  	s10 =	sld [smem:$0x3FB6];
	_ =	sdelay $0x3  }
0x33: {  	p0 =	seq.s32 s10, $0x1;
	s10 =	sld [smem:$0x3FB8];
	_ =	sdelay $0x3  }
0x34: {  	[smem:$0x3FB8] =	sst s10  }
0x35: {  	s10 =	sld [smem:$0x3FB7];
	_ =	sdelay $0x3  }
0x36: {  	p1 =	seq.s32 s10, $0x1;
	s10 =	sld [smem:$0x3FB8];
	_ =	sdelay $0x3  }
0x37: {  	[smem:$0x3FB8] =	sst s10  }
0x38: {  	s10 =	sld [smem:$0x3FB9]  }
0x39: {  	_ = 	snop;
	(pc) =	sbr.ind lr, $3  }
0x3a: {  	_ = 	snop  }
0x3b: {  	_ = 	snop  }
0x3c: {  	p2 =	seq.s32 s10, $0x1;
	s10 =	sld [smem:$0x3FB8]  }
0x3d: {  	_ =	shalt  }
0x3e: {  	_ =	shalt  }
0x3f: {  	_ =	shalt  }
0x40: {  	_ =	shalt  }
0x41: {  	_ =	shalt  }
0x42: {  	_ =	shalt  }
0x43: {  	_ =	shalt  }
0x44: {  	_ =	shalt  }
0x45: {  	_ =	shalt  }
0x46: {  	_ =	shalt  }
0x47: {  	_ =	shalt  }
0x48: {  	_ =	shalt  }
0x49: {  	_ =	shalt  }
0x4a: {  	_ =	shalt  }
0x4b: {  	_ =	shalt  }
0x4c: {  	_ =	shalt  }
0x4d: {  	_ =	shalt  }
0x4e: {  	_ =	shalt  }
0x4f: {  	_ =	shalt  }
0x50: {  	_ =	shalt  }
0x51: {  	_ =	shalt  }
0x52: {  	_ =	shalt  }
0x53: {  	_ =	shalt  }
0x54: {  	_ =	shalt  }
0x55: {  	_ =	shalt  }
0x56: {  	_ =	shalt  }
0x57: {  	_ =	shalt  }
0x58: {  	_ =	shalt  }
0x59: {  	_ =	shalt  }
0x5a: {  	_ =	shalt  }
0x5b: {  	_ =	shalt  }
0x5c: {  	_ =	shalt  }
0x5d: {  	_ =	shalt  }
0x5e: {  	_ =	shalt  }
0x5f: {  	_ =	shalt  }
0x60: {  	_ =	shalt  }
0x61: {  	_ =	shalt  }
0x62: {  	_ =	shalt  }
0x63: {  	_ =	shalt  }
0x64: {  	_ =	shalt  }
0x65: {  	_ =	shalt  }
0x66: {  	_ =	shalt  }
0x67: {  	_ =	shalt  }
0x68: {  	_ =	shalt  }
0x69: {  	_ =	shalt  }
0x6a: {  	_ =	shalt  }
0x6b: {  	_ =	shalt  }
0x6c: {  	_ =	shalt  }
0x6d: {  	_ =	shalt  }
0x6e: {  	_ =	shalt  }
0x6f: {  	_ =	shalt  }
0x70: {  	_ =	shalt  }
0x71: {  	_ =	shalt  }
0x72: {  	_ =	shalt  }
0x73: {  	_ =	shalt  }
0x74: {  	_ =	shalt  }
0x75: {  	_ =	shalt  }
0x76: {  	_ =	shalt  }
0x77: {  	_ =	shalt  }
0x78: {  	_ =	shalt  }
0x79: {  	_ =	shalt  }
0x7a: {  	_ =	shalt  }
0x7b: {  	_ =	shalt  }
0x7c: {  	_ =	shalt  }
0x7d: {  	_ =	shalt  }
0x7e: {  	_ =	shalt  }
0x7f: {  	_ =	shalt  }
0x80: {  	_ =	shalt  }
0x81: {  	_ =	shalt  }
0x82: {  	_ =	shalt  }
0x83: {  	_ =	shalt  }
0x84: {  	_ =	shalt  }
0x85: {  	_ =	shalt  }
0x86: {  	_ =	shalt  }
0x87: {  	_ =	shalt  }
.Lfunc_end0:
.L_simem_size_0:
called_computation_lowered:
.L_overlay_start_0:
0x88: {  	s2 =	sld [smem:$0x3FD9]  }
0x89: {  	s3 =	sld [smem:$0x3FFE];
	_ =	sdelay $0x1  }
0x8a: {  	s1 =	srdreg.scid  }
0x8b: {  	s0 =	sand.u32 $0x1, s1  }
0x8c: {  	s17 =	sshll.u32 s0, $0xA;
	s2 =	sadd.s32 s3, s2  }
0x8d: {  	s2 =	sadd.s32 s2, s17  }
0x8e: {  	[smem:$0x3FC4] =	sst s2  }
0x8f: {  	_ = 	snop  }
0x90: {  	s2 =	sld [smem:$0x3FD0];
	(tm) =	ssettm $0x1  }
0x91: {  	s18 =	sld [smem:$0x3FFB];
	_ =	sdelay $0x3  }
0x92: {  	_ =	strace s18  }
0x93: {  	s3 =	sld [smem:$0x3FFC];
	_ =	sdelay $0x3  }
0x94: {  	_ =	strace s3  }
0x95: {  	s3 =	sld [smem:$0x3FFD];
	_ =	sdelay $0x3  }
0x96: {  	_ =	strace s3  }
0x97: {  	_ =	strace $0x8FFFFFFF  }
0x98: {  	s19 =	sld [smem:$0x3FDB];
	_ =	sdelay $0x1  }
0x99: {  	s4 =	simm.s32 $_scs_section_size  }
0x9a: {  	s5 =	simm.s32 $_size__tile_overlayer_lowered;
	s6 =	simm.s32 $_tile_overlayer_lowered  }
0x9b: {  	s22 =	simm.s32 $0x1BFF;
	s21 =	sshll.u32 s6, $0x1;
	s3 =	sadd.s32 s4, s19  }
0x9c: {  	s7 =	simm.s32 $0x0;
	s20 =	sshll.u32 s5, $0x1;
	s5 =	sadd.s32 s21, s3  }
0x9d: {  	[timem:s7], [sflag:s22] =	dma.local [hbm:s5], s20  }
0x9e: {  	_ =	swait.ge [sflag:s22], s20  }
0x9f: {  	s4 =	ssub.s32 $0x0, s20;
	[sflag:s22] =	ssyncset.done $0x0  }
0xa0: {  	[sflag:s22] =	ssyncadd.s32 s4;
	_ =	sdelay $0x1  }
0xa1: {  	s23 =	simm.s32 $0x1B8B  }
0xa2: {  	_ =	swait.ge [sflag:s23], $0x1  }
0xa3: {  	[sflag:s23] =	ssyncset.done $0x0  }
0xa4: {  	s25 =	simm.s32 $0x1B8E;
	s24 =	sld [smem:$0x3FFE];
	[sflag:s23] =	ssyncadd.s32 $0xFFFFFFFF  }
0xa5: {  	s26 =	simm.s32 $execute0_lowered;
	[smem:$0x3FD2] =	sst s25  }
0xa6: {  	s5 =	sshll.u32 s26, $0x1;
	_ =	strace $0x80000046;
	[dreg:$0x1] =	wrdreg $0xFFFFFFFF  }
0xa7: {  	s28 =	simm.s32 $_size_execute0_lowered;
	s3 =	sadd.s32 s3, s5;
	[dreg:$0x0] =	wrdreg $0x0  }
0xa8: {  	s5 =	sshll.u32 s28, $0x1;
	[dreg:$0x2] =	wrdreg s3  }
0xa9: {  	[dreg:$0x3] =	wrdreg s5  }
0xaa: {  	[dreg:$0x4] =	wrdreg $0xC0  }
0xab: {  	_ =	task [dreg:s7], $0x5FFFF  }
0xac: {  	[dreg:$0x1] =	wrdreg $0xFFFFFFFF  }
0xad: {  	[dreg:$0x0] =	wrdreg $0x60  }
0xae: {  	[dreg:$0x2] =	wrdreg s24  }
0xaf: {  	[dreg:$0x3] =	wrdreg s2  }
0xb0: {  	[dreg:$0x4] =	wrdreg $0xC3000  }
0xb1: {  	[dreg:$0x5] =	wrdreg $0x9  }
0xb2: {  	_ =	task.clear_ibuf [dreg:s7], $0x6FFFF;
	_ =	strace $0x90000046  }
0xb3: {  	s29 =	simm.s32 $0x9;
	_ =	strace $0x80000048  }
0xb4: {  	_ =	swait.ge [sflag:s29], $0x1  }
0xb5: {  	[sflag:s29] =	ssyncadd.s32 $0xFFFFFFFF  }
0xb6: {  	_ =	strace $0x90000048  }
0xb7: {  	_ =	sfence  }
0xb8: {  	s30 =	sld [smem:$0x0];
	_ =	sdelay $0x2  }
0xb9: {  	s31 =	sshll.u32 s1, $0xD;
	s1 =	sshrl.u32 s1, $0x2  }
0xba: {  	s3 =	sand.u32 $0x4000, s31;
	s1 =	sadd.s32 s1, s30  }
0xbb: {  	s0 =	sor.u32 s3, s0;
	s1 =	sshll.u32 s1, $0x11  }
0xbc: {  	s0 =	sor.u32 s1, s0  }
0xbd: {  	s0 =	sadd.s32 $0x8F2B, s0  }
0xbe: {  	[sflag:s0] =	ssyncadd.remote.s32 $0x1  }
0xbf: {  	_ =	sfence.sel $0xFFFF  }
0xc0: {  	[dreg:$0x0] =	wrdreg $0xFFFFFFFF;
	(pc) =	sbr.abs _section_cstart, $3  }
0xc1: {  	[dreg:$0x1] =	wrdreg $0xFFFFFFFF  }
0xc2: {  	_ =	task.clear_ibuf [dreg:s7], $0x2FFFF;
	_ =	strace $0x9FFFFFFF  }
0xc3: {  	(tm) =	ssettm $0x7FFFFFFF  }
tec
execute0_lowered:
.L_overlay_start_1:
0x0: {  	(tag) =	ssettag $0x1  }
0x1: {  	s0 =	rddreg [dreg:$0x0]  }
0x2: {  	s1 =	rddreg [dreg:$0x1]  }
0x3: {  	s2 =	rddreg [dreg:$0x2]  }
0x4: {  	s4 =	srdreg.scid;
	s12 =	stileid.u32;
	s3 =	simm.s32 $0x0  }
0x5: {  	s31 =	simm.s32 $0xA580;
	s13 =	simm.s32 $0xBB00;
	s14 =	simm.s32 $0x3  }
0x6: {  	s16 =	simm.s32 $0x0;
	[smem:$0x7FF] =	sst s3;
	s21 =	sadd.s32 $0x1210, s0  }
0x7: {  	s22 =	sadd.s32 $0x1220, s0;
	_ =	strace $0x80000047;
	[dreg:$0x8] =	wrdreg s21  }
0x8: {  	s6 =	sand.u32 $0x1, s4;
	s23 =	sadd.s32 $0x1230, s0;
	[dreg:$0x9] =	wrdreg s22  }
0x9: {  	s17 =	sshll.u32 s12, $0x1;
	s24 =	sadd.s32 $0x1240, s0;
	[dreg:$0xa] =	wrdreg s23  }
0xa: {  	s4 =	sadd.s32 $0x1200, s0;
	s25 =	sadd.s32 $0x1250, s0;
	[dreg:$0xb] =	wrdreg s24  }
0xb: {  	s5 =	sadd.s32 $0xB000, s0;
	s26 =	sadd.s32 $0xB010, s0;
	[dreg:$0xc] =	wrdreg s25  }
0xc: {  	s9 =	smul.u32 $0x50000, s12;
	s28 =	sadd.s32 $0xB020, s0;
	[dreg:$0xd] =	wrdreg s26  }
0xd: {  	s11 =	smul.u32 $0x2800, s12;
	s29 =	sadd.s32 $0xB030, s0;
	[dreg:$0xe] =	wrdreg s28  }
0xe: {  	p0 =	seq.s32 s12, $0xF;
	s30 =	sadd.s32 $0xB040, s0;
	[dreg:$0xf] =	wrdreg s29  }
0xf: {  	s7 =	sor.u32 s6, s17;
	s6 =	ssub.s32 $0x2, s6;
	[dreg:$0x10] =	wrdreg s30  }
0x10: {  	s23 =	simm.s32 $0xA880;
	s24 =	simm.s32 $0xA980;
	s8 =	smul.u32 $0x1400, s7  }
0x11: {  	s10 =	sshrl.u32 s6, $0x1;
	s7 =	smul.u32 $0x140, s7;
	s9 =	sshrl.u32 s9, $0x2  }
0x12: {  	s18 =	sadd.s32 s1, s11;
	s1 =	sadd.s32 $0x25800, s1;
	s11 =	simm.s32 $0x10  }
0x13: {  	s6 =	ssub.s32 s6, s10;
	s9 =	sadd.s32 s9, s2;
	[dreg:$0x4] =	wrdreg s18  }
0x14: {  	s10 =	sadd.s32 $0x12C000, s2;
	[dreg:$0x5] =	wrdreg s1;
	s8 =	sadd.s32 s8, s0  }
0x15: {  	s20 =	smax.u32 s6, $0x1;
	s0 =	sadd.s32 $0xB050, s0;
	s1 =	sshrl.u32 @p0 s10, $0x3  }
0x16: {  	v0 =	vmov s7;
	s6 =	simm.s32 $0xAA80;
	s7 =	simm.s32 $0xAB80;
	[dreg:$0x7] =	wrdreg s20  }
.Ltmp0:
0x17: {  	s10 =	simm.s32 $0xAF80;
	[dreg:$0x11] =	wrdreg s0;
	(pc) =	sbr.rel .LBB2_1-.Ltmp0, $4  }
0x18: {  	v1 =	vimm.f32 $-3.000000010e+38;
	v2 =	vlaneseq.u32;
	s19 =	sadd.s32 $0x14E00, s8;
	s0 =	sshll.u32 @!p0 s12, $0x6;
	[dreg:$0x12] =	wrdreg s1  }
0x19: {  	v3 =	vimm.s32 $0x0;
	vm0 =	vmxor vm0, vm0;
	v4 =	vor.u32 $0x10, v2;
	s1 =	simm.s32 $0xA780;
	[dreg:$0x6] =	wrdreg s19;
	s0 =	sor.u32 @!p0 $0x1C05, s0  }
0x1a: {  	v5 =	vor.u32 $0x20, v2;
	v6 =	vor.u32 $0x30, v2;
	v7 =	vor.u32 $0x40, v2;
	s8 =	simm.s32 $0x1;
	[dreg:$0x13] =	wrdreg s0;
	s0 =	sshrl.u32 @!p0 s9, $0x3  }
0x1b: {  	v8 =	vor.u32 $0x50, v2;
	v9 =	vor.u32 $0x60, v2;
	v10 =	vor.u32 $0x70, v2;
	s9 =	simm.s32 $0xAC00;
	[dreg:$0x14] =	wrdreg s0;
	s0 =	simm.s32 $0xA680  }
.LBB2_27:
0x1c: {  	s12 =	rddreg [dreg:$0x6];
	s15 =	simm.s32 $0x5  }
0x1d: {  	[hbm4b:s12+s3] =	stream.linear.scatter [tilespmem:s3], [sflag:$0x5], $0xA000, $0x38;
	[tilespmem:$0x1FB80] =	vst v63  }
0x1e: {  	_ =	swait.ge [sflag:s15], $0xA000  }
0x1f: {  	s16 =	rddreg [dreg:$0x15]  }
0x20: {  	s30 =	rddreg [dreg:$0x7];
	s16 =	sadd.s32 $0x1, s16  }
0x21: {  	p1 =	sne.s32 s16, s30  }
.Ltmp1:
0x22: {  	_ = 	snop;
	(pc) =	sbr.rel @!p1 .LBB2_28-.Ltmp1, $3  }
0x23: {  	_ =	sdelay $0x1  }
0x24: {  	[sflag:s15] =	ssyncset.done $0x0  }
0x25: {  	[sflag:s15] =	ssyncadd.s32 $0xFFFF6000  }
.LBB2_1:
0x26: {  	[dreg:$0x15] =	wrdreg s16  }
0x27: {  	s15 =	rddreg [dreg:$0x5]  }
0x28: {  	s12 =	simm.s32 @p0 $0x1FC5;
	s16 =	rddreg [dreg:$0x12]  }
0x29: {  	[spmem:s16], [sflag:s12] =	dma.local @p0 [hbm:s15], $0x1900  }
0x2a: {  	s12 =	simm.s32 @p0 $0x5  }
0x2b: {  	_ =	swait.ge @p0 [sflag:s12], $0x1900  }
0x2c: {  	s15 =	rddreg [dreg:$0x13]  }
0x2d: {  	[sflag:s12] =	ssyncset.done @p0 $0x0;
	s16 =	rddreg [dreg:$0x14]  }
0x2e: {  	[sflag:s12] =	ssyncadd.s32 @p0 $0xFFFFE700;
	s12 =	rddreg [dreg:$0x4]  }
0x2f: {  	[spmem:s16], [sflag:s15] =	dma.local @!p0 [hbm:s12], $0x2800  }
0x30: {  	s12 =	simm.s32 @!p0 $0x5  }
0x31: {  	_ =	swait.ge @!p0 [sflag:s12], $0x2800  }
0x32: {  	[sflag:s12] =	ssyncset.done @!p0 $0x0  }
0x33: {  	[sflag:s12] =	ssyncadd.s32 @!p0 $0xFFFFD800  }
0x34: {  	s15 =	simm.s32 $0x200;
	s12 =	simm.s32 $0x0;
	[bflag:$0x0] =	sbarrier.arrive $0xFFFF  }
.LBB2_2:
0x35: {  	p1 =	sne.s32 s15, $0x27E00;
	[tilespmem:s12+$0x70] =	vst v1  }
0x36: {  	[tilespmem:s12+$0x0] =	vst v1  }
0x37: {  	[tilespmem:s12+$0x10] =	vst v1  }
.Ltmp2:
0x38: {  	[tilespmem:s12+$0x20] =	vst v1;
	(pc) =	sbr.rel @p1 .LBB2_2-.Ltmp2, $4  }
0x39: {  	[tilespmem:s12+$0x30] =	vst v1  }
0x3a: {  	[tilespmem:s12+$0x40] =	vst v1  }
0x3b: {  	[tilespmem:s12+$0x50] =	vst v1  }
0x3c: {  	[tilespmem:s12+$0x60] =	vst v1;
	s12 =	sshra.s32 s15, $0x2;
	s15 =	sadd.s32 $0x200, s15  }
0x3d: {  	[tilespmem:s12+$0x70] =	vst v1  }
0x3e: {  	[tilespmem:s12+$0x0] =	vst v1  }
0x3f: {  	[tilespmem:s12+$0x10] =	vst v1  }
0x40: {  	[tilespmem:s12+$0x20] =	vst v1  }
0x41: {  	[tilespmem:s12+$0x30] =	vst v1  }
0x42: {  	[tilespmem:s12+$0x40] =	vst v1  }
0x43: {  	[tilespmem:s12+$0x50] =	vst v1  }
0x44: {  	[tilespmem:s12+$0x60] =	vst v1;
	s12 =	simm.s32 $0x40;
	s15 =	simm.s32 $0x0  }
.LBB2_4:
0x45: {  	p1 =	sne.s32 s12, $0xC00;
	[tilespmem:s15+$0xAC00] =	vst v3;
	s16 =	smov.u32 s12;
	s12 =	sadd.s32 $0x40, s12  }
.Ltmp3:
0x46: {  	[tilespmem:s15+$0xAF80] =	vst v3;
	(pc) =	sbr.rel @p1 .LBB2_4-.Ltmp3, $2  }
0x47: {  	_ =	sdelay $0x2  }
0x48: {  	s15 =	sshra.s32 s16, $0x2  }
0x49: {  	[tilespmem:s15+$0xAC00] =	vst v3  }
0x4a: {  	[tilespmem:s15+$0xAF80] =	vst v3;
	s17 =	simm.s32 $0x0;
	s12 =	simm.s32 $0xA000  }
0x4b: {  	[tilespmem:s12], [sflag:$0x1] =	stream.linear.gather [hbm4b:s4+s17], $0x80, $0x38;
	[tilespmem:$0x1FB80] =	vst v63  }
0x4c: {  	s18 =	rddreg [dreg:$0x8];
	s19 =	simm.s32 $0xA100  }
0x4d: {  	[tilespmem:s19], [sflag:$0x1] =	stream.linear.gather [hbm4b:s18+s17], $0x80, $0x38;
	[tilespmem:$0x1FB80] =	vst v63  }
0x4e: {  	s20 =	rddreg [dreg:$0x9];
	s21 =	simm.s32 $0xA200  }
0x4f: {  	[tilespmem:s21], [sflag:$0x1] =	stream.linear.gather [hbm4b:s20+s17], $0x80, $0x38;
	[tilespmem:$0x1FB80] =	vst v63  }
0x50: {  	s22 =	rddreg [dreg:$0xa];
	s25 =	simm.s32 $0xA300  }
0x51: {  	[tilespmem:s25], [sflag:$0x1] =	stream.linear.gather [hbm4b:s22+s17], $0x80, $0x38;
	[tilespmem:$0x1FB80] =	vst v63  }
0x52: {  	s26 =	rddreg [dreg:$0xb];
	s28 =	simm.s32 $0xA400  }
0x53: {  	[tilespmem:s28], [sflag:$0x1] =	stream.linear.gather [hbm4b:s26+s17], $0x80, $0x38;
	[tilespmem:$0x1FB80] =	vst v63  }
0x54: {  	s29 =	rddreg [dreg:$0xc];
	s30 =	simm.s32 $0xA500  }
0x55: {  	[tilespmem:s30], [sflag:$0x1] =	stream.linear.gather [hbm4b:s29+s17], $0x80, $0x38;
	[tilespmem:$0x1FB80] =	vst v63  }
0x56: {  	s16 =	simm.s32 $0xA600  }
0x57: {  	[tilespmem:s16], [sflag:$0x1] =	stream.linear.gather [hbm4b:s5+s17], $0x80, $0x38;
	[tilespmem:$0x1FB80] =	vst v63  }
0x58: {  	s18 =	rddreg [dreg:$0xd];
	s19 =	simm.s32 $0xA700  }
0x59: {  	[tilespmem:s19], [sflag:$0x1] =	stream.linear.gather [hbm4b:s18+s17], $0x80, $0x38;
	[tilespmem:$0x1FB80] =	vst v63  }
0x5a: {  	s20 =	rddreg [dreg:$0xe];
	s21 =	simm.s32 $0xA800  }
0x5b: {  	[tilespmem:s21], [sflag:$0x1] =	stream.linear.gather [hbm4b:s20+s17], $0x80, $0x38;
	[tilespmem:$0x1FB80] =	vst v63  }
0x5c: {  	s22 =	rddreg [dreg:$0xf];
	s25 =	simm.s32 $0xA900  }
0x5d: {  	[tilespmem:s25], [sflag:$0x1] =	stream.linear.gather [hbm4b:s22+s17], $0x80, $0x38;
	[tilespmem:$0x1FB80] =	vst v63  }
.Ltmp4:
0x5e: {  	_ = 	snop;
	(pc) =	sbr.rel .LBB2_7-.Ltmp4, $4  }
0x5f: {  	s26 =	rddreg [dreg:$0x10];
	s28 =	simm.s32 $0xAA00  }
0x60: {  	[tilespmem:s28], [sflag:$0x1] =	stream.linear.gather [hbm4b:s26+s17], $0x80, $0x38;
	[tilespmem:$0x1FB80] =	vst v63  }
0x61: {  	s29 =	rddreg [dreg:$0x11];
	s30 =	simm.s32 $0xAB00  }
0x62: {  	[tilespmem:s30], [sflag:$0x1] =	stream.linear.gather [hbm4b:s29+s17], $0x80, $0x38;
	[tilespmem:$0x1FB80] =	vst v63  }
.LBB2_6:
0x63: {  	p1 =	seq.s32 s17, $0x1A1  }
.Ltmp5:
0x64: {  	_ = 	snop;
	(pc) =	sbr.rel @p1 .LBB2_27-.Ltmp5, $1  }
0x65: {  	_ =	sdelay $0x3  }
.LBB2_7:
0x66: {  	s12 =	sand.u32 $0x1, s17  }
0x67: {  	s15 =	smov.u32 s17;
	s17 =	sadd.s32 $0x1, s17;
	p1 =	seq.s32 s12, $0x0  }
0x68: {  	s16 =	smul.u32 @!p1 $0x60, s17;
	_ =	sdelay $0x1  }
0x69: {  	s19 =	simm.s32 @!p1 $0x0;
	s20 =	simm.s32 @!p1 $0xA000;
	s18 =	sadd.s32 @!p1 s4, s16  }
0x6a: {  	[tilespmem:s20], [sflag:$0x1] =	stream.linear.gather @!p1 [hbm4b:s18+s19], $0x80, $0x38;
	[tilespmem:$0x1FB80] =	vst v63  }
0x6b: {  	s21 =	simm.s32 @!p1 $0xA100;
	s20 =	sadd.s32 @!p1 $0x10, s18  }
0x6c: {  	[tilespmem:s21], [sflag:$0x1] =	stream.linear.gather @!p1 [hbm4b:s20+s19], $0x80, $0x38;
	[tilespmem:$0x1FB80] =	vst v63  }
0x6d: {  	s20 =	sadd.s32 @!p1 $0x20, s18;
	s21 =	simm.s32 @!p1 $0xA200  }
0x6e: {  	[tilespmem:s21], [sflag:$0x1] =	stream.linear.gather @!p1 [hbm4b:s20+s19], $0x80, $0x38;
	[tilespmem:$0x1FB80] =	vst v63  }
0x6f: {  	s20 =	sadd.s32 @!p1 $0x30, s18;
	s21 =	simm.s32 @!p1 $0xA300  }
0x70: {  	[tilespmem:s21], [sflag:$0x1] =	stream.linear.gather @!p1 [hbm4b:s20+s19], $0x80, $0x38;
	[tilespmem:$0x1FB80] =	vst v63  }
0x71: {  	s20 =	sadd.s32 @!p1 $0x40, s18;
	s21 =	simm.s32 @!p1 $0xA400  }
0x72: {  	[tilespmem:s21], [sflag:$0x1] =	stream.linear.gather @!p1 [hbm4b:s20+s19], $0x80, $0x38;
	[tilespmem:$0x1FB80] =	vst v63  }
0x73: {  	s18 =	sadd.s32 @!p1 $0x50, s18;
	s20 =	simm.s32 @!p1 $0xA500  }
0x74: {  	[tilespmem:s20], [sflag:$0x1] =	stream.linear.gather @!p1 [hbm4b:s18+s19], $0x80, $0x38;
	[tilespmem:$0x1FB80] =	vst v63  }
0x75: {  	s16 =	sadd.s32 @!p1 s5, s16;
	s18 =	simm.s32 @!p1 $0xA600  }
0x76: {  	[tilespmem:s18], [sflag:$0x1] =	stream.linear.gather @!p1 [hbm4b:s16+s19], $0x80, $0x38;
	[tilespmem:$0x1FB80] =	vst v63  }
0x77: {  	s20 =	simm.s32 @!p1 $0xA700;
	s18 =	sadd.s32 @!p1 $0x10, s16  }
0x78: {  	[tilespmem:s20], [sflag:$0x1] =	stream.linear.gather @!p1 [hbm4b:s18+s19], $0x80, $0x38;
	[tilespmem:$0x1FB80] =	vst v63  }
0x79: {  	s18 =	sadd.s32 @!p1 $0x20, s16;
	s20 =	simm.s32 @!p1 $0xA800  }
0x7a: {  	[tilespmem:s20], [sflag:$0x1] =	stream.linear.gather @!p1 [hbm4b:s18+s19], $0x80, $0x38;
	[tilespmem:$0x1FB80] =	vst v63  }
0x7b: {  	s18 =	sadd.s32 @!p1 $0x30, s16;
	s20 =	simm.s32 @!p1 $0xA900  }
0x7c: {  	[tilespmem:s20], [sflag:$0x1] =	stream.linear.gather @!p1 [hbm4b:s18+s19], $0x80, $0x38;
	[tilespmem:$0x1FB80] =	vst v63  }
0x7d: {  	s18 =	sadd.s32 @!p1 $0x40, s16;
	s20 =	simm.s32 @!p1 $0xAA00  }
0x7e: {  	[tilespmem:s20], [sflag:$0x1] =	stream.linear.gather @!p1 [hbm4b:s18+s19], $0x80, $0x38;
	[tilespmem:$0x1FB80] =	vst v63  }
0x7f: {  	s16 =	sadd.s32 @!p1 $0x50, s16;
	s18 =	simm.s32 @!p1 $0xAB00  }
0x80: {  	[tilespmem:s18], [sflag:$0x1] =	stream.linear.gather @!p1 [hbm4b:s16+s19], $0x80, $0x38;
	[tilespmem:$0x1FB80] =	vst v63  }
0x81: {  	p1 =	seq.s32 s15, $0x1A0  }
0x82: {  	p2 =	sne.s32 @!p1 s12, $0x0  }
0x83: {  	p1 =	por p1, p2  }
.Ltmp6:
0x84: {  	_ = 	snop;
	(pc) =	sbr.rel @p1 .LBB2_9-.Ltmp6, $1  }
0x85: {  	_ =	sdelay $0x3  }
0x86: {  	s15 =	smul.u32 $0x60, s17;
	_ =	sdelay $0x1  }
0x87: {  	s18 =	simm.s32 $0xA080;
	s16 =	sadd.s32 s4, s15  }
0x88: {  	[tilespmem:s18], [sflag:$0x2] =	stream.linear.gather [hbm4b:s16+s3], $0x80, $0x38;
	[tilespmem:$0x1FB80] =	vst v63  }
0x89: {  	s19 =	simm.s32 $0xA180;
	s28 =	sadd.s32 $0x10, s16  }
0x8a: {  	[tilespmem:s19], [sflag:$0x2] =	stream.linear.gather [hbm4b:s28+s3], $0x80, $0x38;
	[tilespmem:$0x1FB80] =	vst v63  }
0x8b: {  	s30 =	simm.s32 $0xA280;
	s29 =	sadd.s32 $0x20, s16  }
0x8c: {  	[tilespmem:s30], [sflag:$0x2] =	stream.linear.gather [hbm4b:s29+s3], $0x80, $0x38;
	[tilespmem:$0x1FB80] =	vst v63  }
0x8d: {  	s21 =	simm.s32 $0xA380;
	s20 =	sadd.s32 $0x30, s16  }
0x8e: {  	[tilespmem:s21], [sflag:$0x2] =	stream.linear.gather [hbm4b:s20+s3], $0x80, $0x38;
	[tilespmem:$0x1FB80] =	vst v63  }
0x8f: {  	s25 =	simm.s32 $0xA480;
	s22 =	sadd.s32 $0x40, s16  }
0x90: {  	[tilespmem:s25], [sflag:$0x2] =	stream.linear.gather [hbm4b:s22+s3], $0x80, $0x38;
	[tilespmem:$0x1FB80] =	vst v63  }
0x91: {  	s16 =	sadd.s32 $0x50, s16  }
0x92: {  	[tilespmem:s31], [sflag:$0x2] =	stream.linear.gather [hbm4b:s16+s3], $0x80, $0x38;
	[tilespmem:$0x1FB80] =	vst v63  }
0x93: {  	s15 =	sadd.s32 s5, s15  }
0x94: {  	[tilespmem:s0], [sflag:$0x2] =	stream.linear.gather [hbm4b:s15+s3], $0x80, $0x38;
	[tilespmem:$0x1FB80] =	vst v63  }
0x95: {  	s26 =	sadd.s32 $0x10, s15  }
0x96: {  	[tilespmem:s1], [sflag:$0x2] =	stream.linear.gather [hbm4b:s26+s3], $0x80, $0x38;
	[tilespmem:$0x1FB80] =	vst v63  }
0x97: {  	s28 =	sadd.s32 $0x20, s15  }
0x98: {  	[tilespmem:s23], [sflag:$0x2] =	stream.linear.gather [hbm4b:s28+s3], $0x80, $0x38;
	[tilespmem:$0x1FB80] =	vst v63  }
0x99: {  	s29 =	sadd.s32 $0x30, s15  }
0x9a: {  	[tilespmem:s24], [sflag:$0x2] =	stream.linear.gather [hbm4b:s29+s3], $0x80, $0x38;
	[tilespmem:$0x1FB80] =	vst v63  }
0x9b: {  	s30 =	sadd.s32 $0x40, s15  }
0x9c: {  	[tilespmem:s6], [sflag:$0x2] =	stream.linear.gather [hbm4b:s30+s3], $0x80, $0x38;
	[tilespmem:$0x1FB80] =	vst v63  }
0x9d: {  	s15 =	sadd.s32 $0x50, s15  }
0x9e: {  	[tilespmem:s7], [sflag:$0x2] =	stream.linear.gather [hbm4b:s15+s3], $0x80, $0x38;
	[tilespmem:$0x1FB80] =	vst v63  }
.LBB2_10:
0x9f: {  	_ =	swait.ge [sflag:s8], $0x300  }
0xa0: {  	[sflag:s8] =	ssyncset.done $0x0  }
0xa1: {  	[sflag:s8] =	ssyncadd.s32 $0xFFFFFD00  }
0xa2: {  	_ =	swait.ge [sflag:s8], $0x300  }
0xa3: {  	[sflag:s8] =	ssyncset.done $0x0  }
0xa4: {  	[sflag:s8] =	ssyncadd.s32 $0xFFFFFD00  }
.LBB2_11:
0xa5: {  	p1 =	seq.s32 s12, $0x1  }
0xa6: {  	s15 =	simm.s32 @p1 $0x2  }
0xa7: {  	_ =	swait.ge @p1 [sflag:s15], $0x300  }
0xa8: {  	[sflag:s15] =	ssyncset.done @p1 $0x0  }
0xa9: {  	s19 =	simm.s32 $0x0;
	[sflag:s15] =	ssyncadd.s32 @p1 $0xFFFFFD00  }
0xaa: {  	s12 =	sshll.u32 s12, $0x7;
	s20 =	sand.u32 $0x40, s19;
	_ =	swait.ge @p1 [sflag:s15], $0x300  }
0xab: {  	s21 =	sand.u32 $0x700, s19;
	s18 =	sor.u32 s12, s20;
	[sflag:s15] =	ssyncset.done @p1 $0x0  }
0xac: {  	s16 =	sor.u32 $0x10, s12;
	s22 =	sor.u32 s21, s18;
	[sflag:s15] =	ssyncadd.s32 @p1 $0xFFFFFD00  }
0xad: {  	s26 =	sor.u32 s16, s20;
	v11 =	vld [tilespmem:s22+$0xA600]  }
0xae: {  	s25 =	sor.u32 s21, s26;
	s15 =	sor.u32 $0x20, s12  }
0xaf: {  	s29 =	sor.u32 s15, s20;
	v12 =	vld [tilespmem:s25+$0xA600]  }
0xb0: {  	s26 =	sor.u32 s21, s29  }
0xb1: {  	v13 =	vld [tilespmem:s26+$0xA600]  }
0xb2: {  	v14 =	vsub.s32 v11, v0  }
0xb3: {  	vm4 =	vlt.u32 v14, $0x140  }
0xb4: {  	v12 =	vsub.s32 v12, v0;
	v11 =	vsel vm4, $0x1, v3  }
0xb5: {  	vm3 =	vlt.u32 v12, $0x140;
	(xrf0) =	vadd.scan.msk.s32 $0xffff, v11  }
0xb6: {  	v15 =	vsub.s32 v13, v0;
	v11 =	vsel vm3, $0x1, v3  }
0xb7: {  	s18 =	sor.u32 $0x30, s12;
	vm2 =	vlt.u32 v15, $0x140;
	(xrf0) =	vadd.scan.msk.s32 $0xffff, v11  }
0xb8: {  	s20 =	sor.u32 s18, s20;
	v11 =	vsel vm2, $0x1, v3  }
0xb9: {  	s20 =	sor.u32 s21, s20;
	(xrf0) =	vadd.scan.msk.s32 $0xffff, v11  }
0xba: {  	v11 =	vld [tilespmem:s20+$0xA600]  }
0xbb: {  	v13, _, _ =	vpop (xrf0)  }
0xbc: {  	(v2sf) =	vpush v13, $0xF  }
0xbd: {  	v16, _, _ =	vpop (xrf0)  }
0xbe: {  	(v2sf) =	vpush v16, $0xF  }
0xbf: {  	v11 =	vsub.s32 v11, v0;
	v17, _, _ =	vpop (xrf0)  }
0xc0: {  	vm1 =	vlt.u32 v11, $0x140;
	(v2sf) =	vpush v17, $0xF  }
0xc1: {  	v18 =	vsel vm1, $0x1, v3  }
0xc2: {  	(xrf0) =	vadd.scan.msk.s32 $0xffff, v18;
	_ =	sdelay $0x5  }
0xc3: {  	v18, _, _ =	vpop (xrf0)  }
0xc4: {  	(v2sf) =	vpush v18, $0xF;
	_ =	sdelay $0x1  }
0xc5: {  	v19 =	vmov s19;
	s21 =	spop (v2sf)  }
0xc6: {  	v19 =	vadd.s32 $0xFFFFFFFF, v19;
	s19 =	sadd.s32 $0x0, s21  }
0xc7: {  	v19 =	vbroadcast v19, $0x0;
	s29 =	spop (v2sf);
	v20 =	vmov s19  }
0xc8: {  	s19 =	sadd.s32 s29, s19;
	v20 =	vadd.s32 $0xFFFFFFFF, v20  }
0xc9: {  	v21 =	vld [tilespmem:s22+$0xA000];
	v13 =	vadd.s32 v13, v19;
	s29 =	spop (v2sf);
	v61 =	vmov s19;
	v20 =	vbroadcast v20, $0x0  }
0xca: {  	s19 =	sadd.s32 s29, s19;
	v19 =	vadd.s32 $0xFFFFFFFF, v61  }
0xcb: {  	v23 =	vld [tilespmem:s25+$0xA000];
	v22 =	vmov s19;
	v19 =	vbroadcast v19, $0x0;
	v16 =	vadd.s32 v16, v20  }
0xcc: {  	v62 =	vadd.s32 $0xFFFFFFFF, v22  }
0xcd: {  	v63 =	vld [tilespmem:s26+$0xA000];
	v20 =	vbroadcast v62, $0x0;
	v17 =	vadd.s32 v17, v19  }
0xce: {  	v24 =	vld [tilespmem:s20+$0xA000];
	[tilespmem:v13+s9+$0x0] =	vst.idx.msk vm4, v21  }
0xcf: {  	[tilespmem:v13+s10+$0x0] =	vst.idx.msk vm4, v14;
	v13 =	vadd.s32 v18, v20  }
0xd0: {  	s26 =	simm.s32 $0x40;
	[tilespmem:v16+s9+$0x0] =	vst.idx.msk vm3, v23  }
0xd1: {  	s26 =	sand.u32 $0x40, s26;
	[tilespmem:v16+s10+$0x0] =	vst.idx.msk vm3, v12  }
0xd2: {  	s22 =	sor.u32 s12, s26;
	s29 =	spop (v2sf);
	[tilespmem:v17+s9+$0x0] =	vst.idx.msk vm2, v63  }
0xd3: {  	s25 =	sor.u32 s16, s26;
	s21 =	simm.s32 $0x80;
	s19 =	sadd.s32 s29, s19;
	[tilespmem:v17+s10+$0x0] =	vst.idx.msk vm2, v15  }
0xd4: {  	s30 =	sor.u32 s18, s26;
	s20 =	simm.s32 $0x80;
	s28 =	sand.u32 $0x700, s21;
	v12 =	vmov s19;
	[tilespmem:v13+s9+$0x0] =	vst.idx.msk vm1, v24  }
.LBB2_12:
0xd5: {  	p1 =	sne.s32 s20, $0x2C0  }
0xd6: {  	s29 =	sor.u32 s28, s22;
	[tilespmem:v13+s10+$0x0] =	vst.idx.msk vm1, v11;
	s22 =	smov.u32 s20;
	s20 =	sadd.s32 $0x40, s20  }
0xd7: {  	s25 =	sor.u32 s28, s25;
	s26 =	sor.u32 s15, s26;
	v11 =	vld [tilespmem:s29+$0xA600]  }
0xd8: {  	s26 =	sor.u32 s28, s26;
	v13 =	vld [tilespmem:s25+$0xA600]  }
0xd9: {  	s28 =	sor.u32 s28, s30;
	v14 =	vld [tilespmem:s26+$0xA600]  }
0xda: {  	v15 =	vld [tilespmem:s28+$0xA600];
	_ =	sdelay $0x1  }
0xdb: {  	v16 =	vsub.s32 v11, v0  }
0xdc: {  	v17 =	vsub.s32 v13, v0;
	vm4 =	vlt.u32 v16, $0x140  }
0xdd: {  	v14 =	vsub.s32 v14, v0;
	vm3 =	vlt.u32 v17, $0x140;
	v13 =	vsel vm4, $0x1, v3  }
0xde: {  	v11 =	vsub.s32 v15, v0;
	vm2 =	vlt.u32 v14, $0x140;
	v15 =	vsel vm3, $0x1, v3;
	(xrf0) =	vadd.scan.msk.s32 $0xffff, v13  }
0xdf: {  	vm1 =	vlt.u32 v11, $0x140;
	v13 =	vsel vm2, $0x1, v3;
	(xrf0) =	vadd.scan.msk.s32 $0xffff, v15  }
0xe0: {  	v15 =	vsel vm1, $0x1, v3;
	(xrf0) =	vadd.scan.msk.s32 $0xffff, v13  }
0xe1: {  	(xrf0) =	vadd.scan.msk.s32 $0xffff, v15  }
0xe2: {  	v12 =	vadd.s32 $0xFFFFFFFF, v12  }
0xe3: {  	v12 =	vbroadcast v12, $0x0  }
0xe4: {  	v13, _, _ =	vpop (xrf0)  }
0xe5: {  	v15 =	vadd.s32 v13, v12;
	v18, _, _ =	vpop (xrf0);
	(v2sf) =	vpush v13, $0xF  }
0xe6: {  	v13, _, _ =	vpop (xrf0);
	(v2sf) =	vpush v18, $0xF  }
0xe7: {  	v19, _, _ =	vpop (xrf0);
	(v2sf) =	vpush v13, $0xF  }
0xe8: {  	(v2sf) =	vpush v19, $0xF;
	_ =	sdelay $0xb  }
0xe9: {  	s30 =	spop (v2sf)  }
0xea: {  	s19 =	sadd.s32 s19, s30;
	s30 =	spop (v2sf)  }
0xeb: {  	v12 =	vmov s19;
	s19 =	sadd.s32 s30, s19;
	s30 =	spop (v2sf)  }
0xec: {  	v12 =	vadd.s32 $0xFFFFFFFF, v12;
	v20 =	vmov s19;
	s19 =	sadd.s32 s30, s19;
	s30 =	spop (v2sf)  }
0xed: {  	v21 =	vld [tilespmem:s29+$0xA000];
	v22 =	vbroadcast v12, $0x0;
	v20 =	vadd.s32 $0xFFFFFFFF, v20;
	v23 =	vmov s19;
	s19 =	sadd.s32 s30, s19  }
0xee: {  	v12 =	vmov s19;
	v20 =	vbroadcast v20, $0x0;
	v23 =	vadd.s32 $0xFFFFFFFF, v23  }
0xef: {  	v24 =	vld [tilespmem:s25+$0xA000];
	v18 =	vadd.s32 v18, v22;
	v22 =	vbroadcast v23, $0x0  }
0xf0: {  	v23 =	vld [tilespmem:s26+$0xA000]  }
0xf1: {  	v20 =	vadd.s32 v13, v20;
	v25 =	vld [tilespmem:s28+$0xA000]  }
0xf2: {  	[tilespmem:v15+s9+$0x0] =	vst.idx.msk vm4, v21  }
0xf3: {  	v13 =	vadd.s32 v19, v22;
	[tilespmem:v15+s10+$0x0] =	vst.idx.msk vm4, v16  }
.Ltmp7:
0xf4: {  	[tilespmem:v18+s9+$0x0] =	vst.idx.msk vm3, v24;
	(pc) =	sbr.rel @p1 .LBB2_12-.Ltmp7, $4  }
0xf5: {  	[tilespmem:v18+s10+$0x0] =	vst.idx.msk vm3, v17  }
0xf6: {  	s21 =	sadd.s32 $0x80, s21;
	[tilespmem:v20+s9+$0x0] =	vst.idx.msk vm2, v23  }
0xf7: {  	s26 =	sand.u32 $0x40, s22;
	s28 =	sand.u32 $0x700, s21;
	[tilespmem:v20+s10+$0x0] =	vst.idx.msk vm2, v14  }
0xf8: {  	s22 =	sor.u32 s12, s26;
	s25 =	sor.u32 s16, s26;
	s30 =	sor.u32 s18, s26;
	[tilespmem:v13+s9+$0x0] =	vst.idx.msk vm1, v25  }
0xf9: {  	_ =	sdelay $0x4  }
0xfa: {  	s12 =	sor.u32 s28, s22;
	[tilespmem:v13+s10+$0x0] =	vst.idx.msk vm1, v11  }
0xfb: {  	s16 =	sor.u32 s28, s25;
	s15 =	sor.u32 s15, s26;
	v11 =	vld [tilespmem:s12+$0xA600]  }
0xfc: {  	v13 =	vld [tilespmem:s16+$0xA600];
	s15 =	sor.u32 s28, s15  }
0xfd: {  	s20 =	sor.u32 s28, s30;
	v14 =	vld [tilespmem:s15+$0xA600]  }
0xfe: {  	v15 =	vld [tilespmem:s20+$0xA600];
	_ =	sdelay $0x1  }
0xff: {  	v11 =	vsub.s32 v11, v0  }
0x100: {  	v13 =	vsub.s32 v13, v0;
	vm4 =	vlt.u32 v11, $0x140  }
0x101: {  	vm3 =	vlt.u32 v13, $0x140;
	v14 =	vsub.s32 v14, v0;
	v16 =	vsel vm4, $0x1, v3  }
0x102: {  	v15 =	vsub.s32 v15, v0;
	v57 =	vsel vm3, $0x1, v3;
	vm1 =	vlt.u32 v14, $0x140;
	(xrf0) =	vadd.scan.msk.s32 $0xffff, v16  }
0x103: {  	vm2 =	vlt.u32 v15, $0x140;
	v58 =	vsel vm1, $0x1, v3;
	(xrf0) =	vadd.scan.msk.s32 $0xffff, v57  }
0x104: {  	v59 =	vsel vm2, $0x1, v3;
	(xrf0) =	vadd.scan.msk.s32 $0xffff, v58  }
0x105: {  	(xrf0) =	vadd.scan.msk.s32 $0xffff, v59;
	_ =	sdelay $0x2  }
0x106: {  	v60, _, _ =	vpop (xrf0)  }
0x107: {  	(v2sf) =	vpush v60, $0xF;
	v17, _, _ =	vpop (xrf0)  }
0x108: {  	(v2sf) =	vpush v17, $0xF;
	v18, _, _ =	vpop (xrf0)  }
0x109: {  	(v2sf) =	vpush v18, $0xF;
	v19, _, _ =	vpop (xrf0)  }
0x10a: {  	(v2sf) =	vpush v19, $0xF;
	_ =	sdelay $0xb  }
0x10b: {  	s18 =	spop (v2sf)  }
0x10c: {  	s18 =	sadd.s32 s19, s18;
	s21 =	spop (v2sf)  }
0x10d: {  	v12 =	vadd.s32 $0xFFFFFFFF, v12;
	v20 =	vmov s18;
	s18 =	sadd.s32 s21, s18;
	s22 =	spop (v2sf)  }
0x10e: {  	v12 =	vbroadcast v12, $0x0;
	s25 =	sadd.s32 s22, s18;
	s26 =	spop (v2sf)  }
0x10f: {  	v20 =	vadd.s32 $0xFFFFFFFF, v20;
	v61 =	vmov s18;
	s18 =	sadd.s32 s26, s25  }
0x110: {  	v21 =	vld [tilespmem:s12+$0xA000];
	v12 =	vadd.s32 v60, v12;
	v20 =	vbroadcast v20, $0x0;
	s12 =	sadd.s32 $0xF, s18  }
0x111: {  	v16 =	vadd.s32 $0xFFFFFFFF, v61;
	s28 =	sand.u32 $0xF, s12  }
0x112: {  	v23 =	vld [tilespmem:s16+$0xA000];
	v22 =	vmov s25;
	v16 =	vbroadcast v16, $0x0;
	v17 =	vadd.s32 v17, v20;
	s29 =	sshra.s32 s12, $0x1F;
	p1 =	slt.s32 s12, $0x1;
	p2 =	sne.s32 s28, $0x0  }
0x113: {  	v62 =	vadd.s32 $0xFFFFFFFF, v22;
	s30 =	sshrl.u32 s29, $0x1C;
	p1 =	por !p1, !p2  }
0x114: {  	v63 =	vld [tilespmem:s15+$0xA000];
	s15 =	simm.s32 $0x1;
	v20 =	vbroadcast v62, $0x0;
	v16 =	vadd.s32 v18, v16;
	s12 =	sadd.s32 s30, s12;
	p1 =	por !p1, !p1  }
0x115: {  	v24 =	vld [tilespmem:s20+$0xA000];
	[tilespmem:v12+s9+$0x0] =	vst.idx.msk vm4, v21;
	s12 =	sshra.s32 s12, $0x4;
	s15 =	simm.s32 @!p1 $0x0  }
0x116: {  	[tilespmem:v12+s10+$0x0] =	vst.idx.msk vm4, v11;
	v11 =	vadd.s32 v19, v20;
	s19 =	ssub.s32 s12, s15  }
0x117: {  	[tilespmem:v17+s9+$0x0] =	vst.idx.msk vm3, v23;
	p1 =	slt.s32 s19, $0x1  }
.Ltmp8:
0x118: {  	[tilespmem:v17+s10+$0x0] =	vst.idx.msk vm3, v13;
	(pc) =	sbr.rel @p1 .LBB2_6-.Ltmp8, $4  }
0x119: {  	[tilespmem:v16+s9+$0x0] =	vst.idx.msk vm1, v63  }
0x11a: {  	[tilespmem:v16+s10+$0x0] =	vst.idx.msk vm1, v14  }
0x11b: {  	[tilespmem:v11+s9+$0x0] =	vst.idx.msk vm2, v24  }
0x11c: {  	[tilespmem:v11+s10+$0x0] =	vst.idx.msk vm2, v15  }
.Ltmp9:
0x11d: {  	(pc) =	sbr.rel .LBB2_16-.Ltmp9, $4  }
0x11e: {  	_ = 	snop  }
0x11f: {  	s12 =	simm.s32 $0xB300  }
0x120: {  	s21 =	simm.s32 $0x0;
	p1 =	por $0x0, $0x0;
	s20 =	simm.s32 $0x0  }
0x121: {  	[tilespmem:s12], [sflag:$0x3] =	stream.indirect.gather [spmem:s2], $0x80, s9, s11, $0xb8;
	[tilespmem:$0x1FB80] =	vst v63  }
.LBB2_9:
0x122: {  	p1 =	sne.s32 s12, $0x0  }
.Ltmp10:
0x123: {  	_ = 	snop;
	(pc) =	sbr.rel @p1 .LBB2_11-.Ltmp10, $4  }
.Ltmp11:
0x124: {  	_ = 	snop;
	(pc) =	sbr.rel @!p1 .LBB2_10-.Ltmp11, $4  }
0x125: {  	_ = 	snop  }
0x126: {  	_ = 	snop  }
0x127: {  	_ = 	snop  }
0x128: {  	_ = 	snop  }
.LBB2_22:
0x129: {  	s22 =	smov.u32 s25  }
.LBB2_26:
0x12a: {  	_ =	sdelay $0x4  }
0x12b: {  	[tilespmem:v11+s3+$0x0] =	vst.idx.msk @p2 vm1, v13  }
0x12c: {  	v11 =	vld.idx.msk [tilespmem:v12+s10+$0x0], $0xffff;
	_ =	sdelay $0x1  }
0x12d: {  	v37 =	vmov s28;
	_ =	sdelay $0x2  }
0x12e: {  	v11 =	vshll.u32 v11, $0x7  }
0x12f: {  	v38 =	vor.u32 v2, v11  }
0x130: {  	v12 =	vld.idx.msk [tilespmem:v37+s10+$0x0], $0xffff  }
0x131: {  	s16 =	sadd.s32 @p2 $0x100, s22  }
0x132: {  	s25 =	smov.u32 @p2 s16  }
0x133: {  	v15 =	vld [tilespmem:s25+$0xFFFFFF80]  }
0x134: {  	v14 =	vld.idx.msk [tilespmem:v38+s3+$0x0], $0xffff  }
0x135: {  	v12 =	vshll.u32 v12, $0x7  }
0x136: {  	v16 =	vor.u32 v2, v12;
	_ =	sdelay $0x2  }
0x137: {  	v14 =	vmax.f32 v14, v15  }
0x138: {  	[tilespmem:v38+s3+$0x0] =	vst.idx.msk $0xffff, v14  }
0x139: {  	vm1 =	vmmov vm0;
	p2 =	slt.s32 s12, s15;
	v13 =	vld.idx.msk [tilespmem:v16+s3+$0x0], $0xffff  }
0x13a: {  	vm1 =	vmneg @p2 vm1;
	v14 =	vld [tilespmem:s25+$0x0];
	_ =	sdelay $0x1  }
0x13b: {  	v39 =	vor.u32 v4, v11;
	_ =	sdelay $0x2  }
0x13c: {  	v13 =	vmax.f32 v13, v14  }
0x13d: {  	[tilespmem:v16+s3+$0x0] =	vst.idx.msk vm1, v13  }
0x13e: {  	v13 =	vld.idx.msk [tilespmem:v39+s3+$0x0], $0xffff  }
0x13f: {  	v40 =	vld [tilespmem:s25+$0xFFFFFF90];
	_ =	sdelay $0x1  }
0x140: {  	v41 =	vor.u32 v4, v12;
	_ =	sdelay $0x2  }
0x141: {  	v13 =	vmax.f32 v13, v40  }
0x142: {  	[tilespmem:v39+s3+$0x0] =	vst.idx.msk $0xffff, v13  }
0x143: {  	v13 =	vld.idx.msk [tilespmem:v41+s3+$0x0], $0xffff  }
0x144: {  	v42 =	vld [tilespmem:s25+$0x10];
	_ =	sdelay $0x1  }
0x145: {  	v43 =	vor.u32 v5, v11;
	_ =	sdelay $0x2  }
0x146: {  	v13 =	vmax.f32 v13, v42  }
0x147: {  	[tilespmem:v41+s3+$0x0] =	vst.idx.msk vm1, v13  }
0x148: {  	v13 =	vld.idx.msk [tilespmem:v43+s3+$0x0], $0xffff  }
0x149: {  	v44 =	vld [tilespmem:s25+$0xFFFFFFA0];
	_ =	sdelay $0x1  }
0x14a: {  	v45 =	vor.u32 v5, v12;
	_ =	sdelay $0x2  }
0x14b: {  	v13 =	vmax.f32 v13, v44  }
0x14c: {  	[tilespmem:v43+s3+$0x0] =	vst.idx.msk $0xffff, v13  }
0x14d: {  	v13 =	vld.idx.msk [tilespmem:v45+s3+$0x0], $0xffff  }
0x14e: {  	v46 =	vld [tilespmem:s25+$0x20];
	_ =	sdelay $0x1  }
0x14f: {  	v47 =	vor.u32 v6, v11;
	_ =	sdelay $0x2  }
0x150: {  	v13 =	vmax.f32 v13, v46  }
0x151: {  	[tilespmem:v45+s3+$0x0] =	vst.idx.msk vm1, v13  }
0x152: {  	v13 =	vld.idx.msk [tilespmem:v47+s3+$0x0], $0xffff  }
0x153: {  	v48 =	vld [tilespmem:s25+$0xFFFFFFB0];
	_ =	sdelay $0x1  }
0x154: {  	v49 =	vor.u32 v6, v12;
	_ =	sdelay $0x2  }
0x155: {  	v13 =	vmax.f32 v13, v48  }
0x156: {  	[tilespmem:v47+s3+$0x0] =	vst.idx.msk $0xffff, v13  }
0x157: {  	v13 =	vld.idx.msk [tilespmem:v49+s3+$0x0], $0xffff  }
0x158: {  	v50 =	vld [tilespmem:s25+$0x30];
	_ =	sdelay $0x1  }
0x159: {  	v51 =	vor.u32 v7, v11;
	_ =	sdelay $0x2  }
0x15a: {  	v13 =	vmax.f32 v13, v50  }
0x15b: {  	[tilespmem:v49+s3+$0x0] =	vst.idx.msk vm1, v13  }
0x15c: {  	v13 =	vld.idx.msk [tilespmem:v51+s3+$0x0], $0xffff  }
0x15d: {  	v52 =	vld [tilespmem:s25+$0xFFFFFFC0];
	_ =	sdelay $0x1  }
0x15e: {  	v53 =	vor.u32 v7, v12;
	_ =	sdelay $0x2  }
0x15f: {  	v13 =	vmax.f32 v13, v52  }
0x160: {  	[tilespmem:v51+s3+$0x0] =	vst.idx.msk $0xffff, v13  }
0x161: {  	v13 =	vld.idx.msk [tilespmem:v53+s3+$0x0], $0xffff  }
0x162: {  	v54 =	vld [tilespmem:s25+$0x40];
	_ =	sdelay $0x1  }
0x163: {  	v55 =	vor.u32 v8, v11;
	_ =	sdelay $0x2  }
0x164: {  	v13 =	vmax.f32 v13, v54  }
0x165: {  	[tilespmem:v53+s3+$0x0] =	vst.idx.msk vm1, v13  }
0x166: {  	v13 =	vld.idx.msk [tilespmem:v55+s3+$0x0], $0xffff  }
0x167: {  	v56 =	vld [tilespmem:s25+$0xFFFFFFD0];
	_ =	sdelay $0x1  }
0x168: {  	v57 =	vor.u32 v8, v12;
	_ =	sdelay $0x2  }
0x169: {  	v13 =	vmax.f32 v13, v56  }
0x16a: {  	[tilespmem:v55+s3+$0x0] =	vst.idx.msk $0xffff, v13  }
0x16b: {  	v13 =	vld.idx.msk [tilespmem:v57+s3+$0x0], $0xffff  }
0x16c: {  	v58 =	vld [tilespmem:s25+$0x50];
	_ =	sdelay $0x1  }
0x16d: {  	v59 =	vor.u32 v9, v11;
	_ =	sdelay $0x2  }
0x16e: {  	v13 =	vmax.f32 v13, v58  }
0x16f: {  	[tilespmem:v57+s3+$0x0] =	vst.idx.msk vm1, v13  }
0x170: {  	v13 =	vld.idx.msk [tilespmem:v59+s3+$0x0], $0xffff  }
0x171: {  	v60 =	vld [tilespmem:s25+$0xFFFFFFE0];
	_ =	sdelay $0x1  }
0x172: {  	v61 =	vor.u32 v9, v12;
	_ =	sdelay $0x2  }
0x173: {  	v13 =	vmax.f32 v13, v60  }
0x174: {  	[tilespmem:v59+s3+$0x0] =	vst.idx.msk $0xffff, v13  }
0x175: {  	v13 =	vld.idx.msk [tilespmem:v61+s3+$0x0], $0xffff  }
0x176: {  	v62 =	vld [tilespmem:s25+$0x60];
	_ =	sdelay $0x1  }
0x177: {  	v11 =	vor.u32 v10, v11;
	_ =	sdelay $0x2  }
0x178: {  	v13 =	vmax.f32 v13, v62  }
0x179: {  	[tilespmem:v61+s3+$0x0] =	vst.idx.msk vm1, v13  }
0x17a: {  	v13 =	vld.idx.msk [tilespmem:v11+s3+$0x0], $0xffff  }
0x17b: {  	v63 =	vld [tilespmem:s25+$0xFFFFFFF0];
	_ =	sdelay $0x1  }
0x17c: {  	v12 =	vor.u32 v10, v12;
	_ =	sdelay $0x2  }
0x17d: {  	v13 =	vmax.f32 v13, v63  }
0x17e: {  	[tilespmem:v11+s3+$0x0] =	vst.idx.msk $0xffff, v13  }
0x17f: {  	v11 =	vld.idx.msk [tilespmem:v12+s3+$0x0], $0xffff  }
0x180: {  	v13 =	vld [tilespmem:s25+$0x70];
	_ =	sdelay $0x4  }
0x181: {  	v11 =	vmax.f32 v11, v13  }
0x182: {  	[tilespmem:v12+s3+$0x0] =	vst.idx.msk vm1, v11  }
.LBB2_15:
0x183: {  	p2 =	seq.s32 s21, s19  }
.Ltmp12:
0x184: {  	_ = 	snop;
	(pc) =	sbr.rel @p2 .LBB2_6-.Ltmp12, $2  }
0x185: {  	_ =	sdelay $0x2  }
0x186: {  	s20 =	sadd.s32 $0x10, s20;
	p1 =	por !p1, !p1  }
.LBB2_16:
0x187: {  	s12 =	smov.u32 s21;
	s15 =	sand.u32 $0x1, s21;
	s21 =	sadd.s32 $0x1, s21  }
0x188: {  	p3 =	sge.s32 s21, s19;
	p2 =	seq.s32 s15, $0x1  }
0x189: {  	p4 =	por !p2, p3  }
0x18a: {  	s16 =	sshll.u32 @!p4 s21, $0x6  }
0x18b: {  	s16 =	sshra.s32 @!p4 s16, $0x2  }
0x18c: {  	s22 =	simm.s32 @!p4 $0x10;
	s25 =	simm.s32 @!p4 $0xB300;
	s16 =	sadd.s32 @!p4 $0xAC00, s16  }
0x18d: {  	[tilespmem:s25], [sflag:$0x3] =	stream.indirect.gather @!p4 [spmem:s2], $0x80, s16, s22, $0xb8;
	[tilespmem:$0x1FB80] =	vst v63  }
0x18e: {  	p4 =	sne.s32 @!p3 s15, $0x0  }
0x18f: {  	p3 =	por p3, p4  }
.Ltmp13:
0x190: {  	_ = 	snop;
	(pc) =	sbr.rel @p3 .LBB2_18-.Ltmp13, $1  }
0x191: {  	_ =	sdelay $0x3  }
0x192: {  	s15 =	sshll.u32 s21, $0x6  }
0x193: {  	s15 =	sshra.s32 s15, $0x2  }
0x194: {  	s15 =	sadd.s32 $0xAC00, s15  }
0x195: {  	[tilespmem:s13], [sflag:$0x4] =	stream.indirect.gather [spmem:s2], $0x80, s15, s11, $0xb8;
	[tilespmem:$0x1FB80] =	vst v63  }
.LBB2_19:
0x196: {  	_ =	swait.ge [sflag:s14], $0x800  }
0x197: {  	[sflag:s14] =	ssyncset.done $0x0  }
0x198: {  	[sflag:s14] =	ssyncadd.s32 $0xFFFFF800  }
.LBB2_20:
0x199: {  	s12 =	sshll.u32 s12, $0x4  }
0x19a: {  	s15 =	ssub.s32 s18, s12  }
0x19b: {  	p3 =	slt.s32 s15, $0x10  }
0x19c: {  	p4 =	slt.s32 s15, $0x0;
	s15 =	simm.s32 @!p3 $0x10  }
0x19d: {  	s29 =	sadd.s32 $0x1, s15  }
0x19e: {  	s16 =	sand.u32 $0x1, s29  }
0x19f: {  	p6 =	seq.s32 s16, $0x1  }
0x1a0: {  	s30 =	sshrl.u32 s29, $0x1F;
	p3 =	por !p4, !p6  }
0x1a1: {  	s12 =	sadd.s32 s30, s29;
	s16 =	simm.s32 $0x1;
	p3 =	por !p3, !p3  }
0x1a2: {  	s12 =	sshra.s32 s12, $0x1;
	s16 =	simm.s32 @!p3 $0x0  }
0x1a3: {  	s16 =	ssub.s32 s12, s16  }
0x1a4: {  	p3 =	slt.s32 s16, $0x1  }
.Ltmp14:
0x1a5: {  	_ = 	snop;
	(pc) =	sbr.rel @p3 .LBB2_15-.Ltmp14, $4  }
0x1a6: {  	s22 =	simm.s32 @p2 $0x4  }
0x1a7: {  	_ =	swait.ge @p2 [sflag:s22], $0x800  }
0x1a8: {  	[sflag:s22] =	ssyncset.done @p2 $0x0  }
0x1a9: {  	[sflag:s22] =	ssyncadd.s32 @p2 $0xFFFFF800  }
0x1aa: {  	p3 =	sgt.s32 s16, $0x1  }
.Ltmp15:
0x1ab: {  	s28 =	sadd.s32 $0x1, s20;
	(pc) =	sbr.rel @!p3 .LBB2_22-.Ltmp15, $4  }
0x1ac: {  	s12 =	simm.s32 $0x1;
	s22 =	sadd.s32 $0xFFFFFFFF, s28  }
0x1ad: {  	s12 =	simm.s32 @!p1 $0x0;
	v11 =	vmov s22  }
0x1ae: {  	s12 =	sshll.u32 s12, $0xB;
	v11 =	vand.u32 $0xFFFFFFFE, v11  }
0x1af: {  	p2 =	por $0x0, $0x0;
	s25 =	sor.u32 $0xB380, s12;
	s12 =	simm.s32 $0x1;
	v12 =	vbroadcast v11, $0x0  }
0x1b0: {  	_ =	sdelay $0x4  }
0x1b1: {  	v11 =	vld.idx.msk [tilespmem:v12+s10+$0x0], $0xffff;
	_ =	sdelay $0x1  }
0x1b2: {  	v12 =	vmov s28;
	_ =	sdelay $0x2  }
0x1b3: {  	v11 =	vshll.u32 v11, $0x7  }
0x1b4: {  	v13 =	vor.u32 v2, v11  }
0x1b5: {  	v12 =	vld.idx.msk [tilespmem:v12+s10+$0x0], $0xffff;
	_ =	sdelay $0x2  }
0x1b6: {  	v15 =	vld [tilespmem:s25+$0xFFFFFF80]  }
0x1b7: {  	v14 =	vld.idx.msk [tilespmem:v13+s3+$0x0], $0xffff  }
0x1b8: {  	v12 =	vshll.u32 v12, $0x7  }
0x1b9: {  	v16 =	vor.u32 v2, v12;
	_ =	sdelay $0x2  }
0x1ba: {  	v14 =	vmax.f32 v14, v15  }
0x1bb: {  	[tilespmem:v13+s3+$0x0] =	vst.idx.msk $0xffff, v14  }
0x1bc: {  	p2 =	sgt.s32 s15, $0x1;
	vm1 =	vmmov vm0;
	v13 =	vld.idx.msk [tilespmem:v16+s3+$0x0], $0xffff  }
0x1bd: {  	vm1 =	vmneg @p2 vm1;
	v14 =	vld [tilespmem:s25+$0x0];
	_ =	sdelay $0x1  }
0x1be: {  	v15 =	vor.u32 v4, v11;
	_ =	sdelay $0x2  }
0x1bf: {  	v13 =	vmax.f32 v13, v14  }
0x1c0: {  	[tilespmem:v16+s3+$0x0] =	vst.idx.msk vm1, v13  }
0x1c1: {  	v13 =	vld.idx.msk [tilespmem:v15+s3+$0x0], $0xffff  }
0x1c2: {  	v14 =	vld [tilespmem:s25+$0xFFFFFF90];
	_ =	sdelay $0x1  }
0x1c3: {  	v58 =	vor.u32 v4, v12;
	_ =	sdelay $0x2  }
0x1c4: {  	v13 =	vmax.f32 v13, v14  }
0x1c5: {  	[tilespmem:v15+s3+$0x0] =	vst.idx.msk $0xffff, v13  }
0x1c6: {  	v13 =	vld.idx.msk [tilespmem:v58+s3+$0x0], $0xffff  }
0x1c7: {  	v14 =	vld [tilespmem:s25+$0x10];
	_ =	sdelay $0x1  }
0x1c8: {  	v15 =	vor.u32 v5, v11;
	_ =	sdelay $0x2  }
0x1c9: {  	v13 =	vmax.f32 v13, v14  }
0x1ca: {  	[tilespmem:v58+s3+$0x0] =	vst.idx.msk vm1, v13  }
0x1cb: {  	v13 =	vld.idx.msk [tilespmem:v15+s3+$0x0], $0xffff  }
0x1cc: {  	v14 =	vld [tilespmem:s25+$0xFFFFFFA0];
	_ =	sdelay $0x1  }
0x1cd: {  	v59 =	vor.u32 v5, v12;
	_ =	sdelay $0x2  }
0x1ce: {  	v13 =	vmax.f32 v13, v14  }
0x1cf: {  	[tilespmem:v15+s3+$0x0] =	vst.idx.msk $0xffff, v13  }
0x1d0: {  	v13 =	vld.idx.msk [tilespmem:v59+s3+$0x0], $0xffff  }
0x1d1: {  	v14 =	vld [tilespmem:s25+$0x20];
	_ =	sdelay $0x1  }
0x1d2: {  	v15 =	vor.u32 v6, v11;
	_ =	sdelay $0x2  }
0x1d3: {  	v13 =	vmax.f32 v13, v14  }
0x1d4: {  	[tilespmem:v59+s3+$0x0] =	vst.idx.msk vm1, v13  }
0x1d5: {  	v13 =	vld.idx.msk [tilespmem:v15+s3+$0x0], $0xffff  }
0x1d6: {  	v14 =	vld [tilespmem:s25+$0xFFFFFFB0];
	_ =	sdelay $0x1  }
0x1d7: {  	v60 =	vor.u32 v6, v12;
	_ =	sdelay $0x2  }
0x1d8: {  	v13 =	vmax.f32 v13, v14  }
0x1d9: {  	[tilespmem:v15+s3+$0x0] =	vst.idx.msk $0xffff, v13  }
0x1da: {  	v13 =	vld.idx.msk [tilespmem:v60+s3+$0x0], $0xffff  }
0x1db: {  	v14 =	vld [tilespmem:s25+$0x30];
	_ =	sdelay $0x1  }
0x1dc: {  	v15 =	vor.u32 v7, v11;
	_ =	sdelay $0x2  }
0x1dd: {  	v13 =	vmax.f32 v13, v14  }
0x1de: {  	[tilespmem:v60+s3+$0x0] =	vst.idx.msk vm1, v13  }
0x1df: {  	v13 =	vld.idx.msk [tilespmem:v15+s3+$0x0], $0xffff  }
0x1e0: {  	v14 =	vld [tilespmem:s25+$0xFFFFFFC0];
	_ =	sdelay $0x1  }
0x1e1: {  	v61 =	vor.u32 v7, v12;
	_ =	sdelay $0x2  }
0x1e2: {  	v13 =	vmax.f32 v13, v14  }
0x1e3: {  	[tilespmem:v15+s3+$0x0] =	vst.idx.msk $0xffff, v13  }
0x1e4: {  	v13 =	vld.idx.msk [tilespmem:v61+s3+$0x0], $0xffff  }
0x1e5: {  	v14 =	vld [tilespmem:s25+$0x40];
	_ =	sdelay $0x1  }
0x1e6: {  	v15 =	vor.u32 v8, v11;
	_ =	sdelay $0x2  }
0x1e7: {  	v13 =	vmax.f32 v13, v14  }
0x1e8: {  	[tilespmem:v61+s3+$0x0] =	vst.idx.msk vm1, v13  }
0x1e9: {  	v13 =	vld.idx.msk [tilespmem:v15+s3+$0x0], $0xffff  }
0x1ea: {  	v14 =	vld [tilespmem:s25+$0xFFFFFFD0];
	_ =	sdelay $0x1  }
0x1eb: {  	v62 =	vor.u32 v8, v12;
	_ =	sdelay $0x2  }
0x1ec: {  	v13 =	vmax.f32 v13, v14  }
0x1ed: {  	[tilespmem:v15+s3+$0x0] =	vst.idx.msk $0xffff, v13  }
0x1ee: {  	v13 =	vld.idx.msk [tilespmem:v62+s3+$0x0], $0xffff  }
0x1ef: {  	v14 =	vld [tilespmem:s25+$0x50];
	_ =	sdelay $0x1  }
0x1f0: {  	v15 =	vor.u32 v9, v11;
	_ =	sdelay $0x2  }
0x1f1: {  	v13 =	vmax.f32 v13, v14  }
0x1f2: {  	[tilespmem:v62+s3+$0x0] =	vst.idx.msk vm1, v13  }
0x1f3: {  	v13 =	vld.idx.msk [tilespmem:v15+s3+$0x0], $0xffff  }
0x1f4: {  	v14 =	vld [tilespmem:s25+$0xFFFFFFE0];
	_ =	sdelay $0x1  }
0x1f5: {  	v63 =	vor.u32 v9, v12;
	_ =	sdelay $0x2  }
0x1f6: {  	v13 =	vmax.f32 v13, v14  }
0x1f7: {  	[tilespmem:v15+s3+$0x0] =	vst.idx.msk $0xffff, v13  }
0x1f8: {  	v13 =	vld.idx.msk [tilespmem:v63+s3+$0x0], $0xffff  }
0x1f9: {  	v14 =	vld [tilespmem:s25+$0x60];
	_ =	sdelay $0x1  }
0x1fa: {  	v15 =	vor.u32 v10, v11;
	_ =	sdelay $0x2  }
0x1fb: {  	v11 =	vmax.f32 v13, v14  }
0x1fc: {  	[tilespmem:v63+s3+$0x0] =	vst.idx.msk vm1, v11  }
0x1fd: {  	v13 =	vld.idx.msk [tilespmem:v15+s3+$0x0], $0xffff  }
0x1fe: {  	v14 =	vld [tilespmem:s25+$0xFFFFFFF0];
	_ =	sdelay $0x1  }
0x1ff: {  	v11 =	vor.u32 v10, v12;
	_ =	sdelay $0x2  }
0x200: {  	s28 =	sadd.s32 $0x3, s20;
	v12 =	vmax.f32 v13, v14  }
0x201: {  	s12 =	sadd.s32 $0xFFFFFFFF, s28;
	[tilespmem:v15+s3+$0x0] =	vst.idx.msk $0xffff, v12  }
0x202: {  	v12 =	vmov s12;
	v13 =	vld.idx.msk [tilespmem:v11+s3+$0x0], $0xffff  }
0x203: {  	p3 =	sgt.s32 s16, $0x2;
	v14 =	vld [tilespmem:s25+$0x70];
	v12 =	vand.u32 $0xFFFFFFFE, v12  }
.Ltmp16:
0x204: {  	v12 =	vbroadcast v12, $0x0;
	(pc) =	sbr.rel @!p3 .LBB2_24-.Ltmp16, $3  }
0x205: {  	_ =	sdelay $0x1  }
0x206: {  	s26 =	simm.s32 $0x2  }
0x207: {  	s22 =	smov.u32 s25;
	p2 =	por $0x1, $0x1;
	s12 =	simm.s32 $0x3;
	v13 =	vmax.f32 v13, v14  }
.LBB2_25:
0x208: {  	s26 =	sadd.s32 $0x1, s26;
	[tilespmem:v11+s3+$0x0] =	vst.idx.msk vm1, v13;
	s22 =	sadd.s32 $0x100, s22  }
0x209: {  	p3 =	slt.s32 s26, s16;
	v11 =	vld.idx.msk [tilespmem:v12+s10+$0x0], $0xffff;
	_ =	sdelay $0x2  }
0x20a: {  	v12 =	vmov s28;
	_ =	sdelay $0x2  }
0x20b: {  	v11 =	vshll.u32 v11, $0x7  }
0x20c: {  	v13 =	vor.u32 v2, v11  }
0x20d: {  	v12 =	vld.idx.msk [tilespmem:v12+s10+$0x0], $0xffff;
	_ =	sdelay $0x3  }
0x20e: {  	v14 =	vld.idx.msk [tilespmem:v13+s3+$0x0], $0xffff  }
0x20f: {  	v15 =	vld [tilespmem:s22+$0xFFFFFF80]  }
0x210: {  	v12 =	vshll.u32 v12, $0x7  }
0x211: {  	v16 =	vor.u32 v2, v12;
	_ =	sdelay $0x2  }
0x212: {  	v14 =	vmax.f32 v14, v15  }
0x213: {  	[tilespmem:v13+s3+$0x0] =	vst.idx.msk $0xffff, v14  }
0x214: {  	p4 =	slt.s32 s12, s15;
	vm1 =	vmmov vm0;
	v13 =	vld.idx.msk [tilespmem:v16+s3+$0x0], $0xffff  }
0x215: {  	vm1 =	vmneg @p4 vm1;
	v14 =	vld [tilespmem:s22+$0x0];
	_ =	sdelay $0x1  }
0x216: {  	v15 =	vor.u32 v4, v11;
	_ =	sdelay $0x2  }
0x217: {  	v13 =	vmax.f32 v13, v14  }
0x218: {  	[tilespmem:v16+s3+$0x0] =	vst.idx.msk vm1, v13  }
0x219: {  	v13 =	vld.idx.msk [tilespmem:v15+s3+$0x0], $0xffff  }
0x21a: {  	v14 =	vld [tilespmem:s22+$0xFFFFFF90];
	_ =	sdelay $0x1  }
0x21b: {  	v16 =	vor.u32 v4, v12;
	_ =	sdelay $0x2  }
0x21c: {  	v13 =	vmax.f32 v13, v14  }
0x21d: {  	[tilespmem:v15+s3+$0x0] =	vst.idx.msk $0xffff, v13  }
0x21e: {  	v13 =	vld.idx.msk [tilespmem:v16+s3+$0x0], $0xffff  }
0x21f: {  	v14 =	vld [tilespmem:s22+$0x10];
	_ =	sdelay $0x1  }
0x220: {  	v15 =	vor.u32 v5, v11;
	_ =	sdelay $0x2  }
0x221: {  	v13 =	vmax.f32 v13, v14  }
0x222: {  	[tilespmem:v16+s3+$0x0] =	vst.idx.msk vm1, v13  }
0x223: {  	v13 =	vld.idx.msk [tilespmem:v15+s3+$0x0], $0xffff  }
0x224: {  	v14 =	vld [tilespmem:s22+$0xFFFFFFA0];
	_ =	sdelay $0x1  }
0x225: {  	v16 =	vor.u32 v5, v12;
	_ =	sdelay $0x2  }
0x226: {  	v13 =	vmax.f32 v13, v14  }
0x227: {  	[tilespmem:v15+s3+$0x0] =	vst.idx.msk $0xffff, v13  }
0x228: {  	v13 =	vld.idx.msk [tilespmem:v16+s3+$0x0], $0xffff  }
0x229: {  	v14 =	vld [tilespmem:s22+$0x20];
	_ =	sdelay $0x1  }
0x22a: {  	v15 =	vor.u32 v6, v11;
	_ =	sdelay $0x2  }
0x22b: {  	v13 =	vmax.f32 v13, v14  }
0x22c: {  	[tilespmem:v16+s3+$0x0] =	vst.idx.msk vm1, v13  }
0x22d: {  	v13 =	vld.idx.msk [tilespmem:v15+s3+$0x0], $0xffff  }
0x22e: {  	v14 =	vld [tilespmem:s22+$0xFFFFFFB0];
	_ =	sdelay $0x1  }
0x22f: {  	v16 =	vor.u32 v6, v12;
	_ =	sdelay $0x2  }
0x230: {  	v13 =	vmax.f32 v13, v14  }
0x231: {  	[tilespmem:v15+s3+$0x0] =	vst.idx.msk $0xffff, v13  }
0x232: {  	v13 =	vld.idx.msk [tilespmem:v16+s3+$0x0], $0xffff  }
0x233: {  	v14 =	vld [tilespmem:s22+$0x30];
	_ =	sdelay $0x1  }
0x234: {  	v15 =	vor.u32 v7, v11;
	_ =	sdelay $0x2  }
0x235: {  	v13 =	vmax.f32 v13, v14  }
0x236: {  	[tilespmem:v16+s3+$0x0] =	vst.idx.msk vm1, v13  }
0x237: {  	v13 =	vld.idx.msk [tilespmem:v15+s3+$0x0], $0xffff  }
0x238: {  	v14 =	vld [tilespmem:s22+$0xFFFFFFC0];
	_ =	sdelay $0x1  }
0x239: {  	v16 =	vor.u32 v7, v12;
	_ =	sdelay $0x2  }
0x23a: {  	v13 =	vmax.f32 v13, v14  }
0x23b: {  	[tilespmem:v15+s3+$0x0] =	vst.idx.msk $0xffff, v13  }
0x23c: {  	v13 =	vld.idx.msk [tilespmem:v16+s3+$0x0], $0xffff  }
0x23d: {  	v14 =	vld [tilespmem:s22+$0x40];
	_ =	sdelay $0x1  }
0x23e: {  	v15 =	vor.u32 v8, v11;
	_ =	sdelay $0x2  }
0x23f: {  	v13 =	vmax.f32 v13, v14  }
0x240: {  	[tilespmem:v16+s3+$0x0] =	vst.idx.msk vm1, v13  }
0x241: {  	v13 =	vld.idx.msk [tilespmem:v15+s3+$0x0], $0xffff  }
0x242: {  	v14 =	vld [tilespmem:s22+$0xFFFFFFD0];
	_ =	sdelay $0x1  }
0x243: {  	v16 =	vor.u32 v8, v12;
	_ =	sdelay $0x2  }
0x244: {  	v13 =	vmax.f32 v13, v14  }
0x245: {  	[tilespmem:v15+s3+$0x0] =	vst.idx.msk $0xffff, v13  }
0x246: {  	v13 =	vld.idx.msk [tilespmem:v16+s3+$0x0], $0xffff  }
0x247: {  	v14 =	vld [tilespmem:s22+$0x50];
	_ =	sdelay $0x1  }
0x248: {  	v15 =	vor.u32 v9, v11;
	_ =	sdelay $0x2  }
0x249: {  	v13 =	vmax.f32 v13, v14  }
0x24a: {  	[tilespmem:v16+s3+$0x0] =	vst.idx.msk vm1, v13  }
0x24b: {  	v13 =	vld.idx.msk [tilespmem:v15+s3+$0x0], $0xffff  }
0x24c: {  	v14 =	vld [tilespmem:s22+$0xFFFFFFE0];
	_ =	sdelay $0x1  }
0x24d: {  	v16 =	vor.u32 v9, v12;
	_ =	sdelay $0x2  }
0x24e: {  	v13 =	vmax.f32 v13, v14  }
0x24f: {  	[tilespmem:v15+s3+$0x0] =	vst.idx.msk $0xffff, v13  }
0x250: {  	v13 =	vld.idx.msk [tilespmem:v16+s3+$0x0], $0xffff  }
0x251: {  	v14 =	vld [tilespmem:s22+$0x60];
	_ =	sdelay $0x1  }
0x252: {  	v15 =	vor.u32 v10, v11;
	_ =	sdelay $0x2  }
0x253: {  	v11 =	vmax.f32 v13, v14  }
0x254: {  	[tilespmem:v16+s3+$0x0] =	vst.idx.msk vm1, v11  }
0x255: {  	v13 =	vld.idx.msk [tilespmem:v15+s3+$0x0], $0xffff  }
0x256: {  	v14 =	vld [tilespmem:s22+$0xFFFFFFF0];
	_ =	sdelay $0x1  }
0x257: {  	v11 =	vor.u32 v10, v12;
	_ =	sdelay $0x1  }
0x258: {  	s12 =	sadd.s32 $0x2, s12  }
0x259: {  	s28 =	sadd.s32 s12, s20;
	v12 =	vmax.f32 v13, v14  }
0x25a: {  	s29 =	sadd.s32 $0xFFFFFFFF, s28;
	[tilespmem:v15+s3+$0x0] =	vst.idx.msk $0xffff, v12  }
0x25b: {  	v12 =	vmov s29;
	v13 =	vld.idx.msk [tilespmem:v11+s3+$0x0], $0xffff  }
0x25c: {  	v12 =	vand.u32 $0xFFFFFFFE, v12;
	v14 =	vld [tilespmem:s22+$0x70]  }
.Ltmp17:
0x25d: {  	v12 =	vbroadcast v12, $0x0;
	(pc) =	sbr.rel @p3 .LBB2_25-.Ltmp17, $2  }
0x25e: {  	_ =	sdelay $0x2  }
0x25f: {  	v13 =	vmax.f32 v13, v14  }
.Ltmp18:
0x260: {  	_ = 	snop;
	(pc) =	sbr.rel .LBB2_26-.Ltmp18, $1  }
0x261: {  	_ =	sdelay $0x3  }
.LBB2_18:
0x262: {  	p3 =	sne.s32 s15, $0x0  }
.Ltmp19:
0x263: {  	_ = 	snop;
	(pc) =	sbr.rel @p3 .LBB2_20-.Ltmp19, $4  }
.Ltmp20:
0x264: {  	_ = 	snop;
	(pc) =	sbr.rel @!p3 .LBB2_19-.Ltmp20, $4  }
0x265: {  	_ = 	snop  }
0x266: {  	_ = 	snop  }
0x267: {  	_ = 	snop  }
0x268: {  	_ = 	snop  }
.LBB2_24:
.Ltmp21:
0x269: {  	(pc) =	sbr.rel .LBB2_26-.Ltmp21, $2  }
0x26a: {  	_ =	sdelay $0x2  }
0x26b: {  	s22 =	smov.u32 s25  }
.LBB2_28:
0x26c: {  	_ =	sfence.sel $0x180000  }
0x26d: {  	[bflag:$0x0] =	sbarrier.arrive $0xFFFF  }
0x26e: {  	_ =	strace $0x90000047  }
0x26f: {  	s0 =	stileid.u32;
	[bflag:$0x2] =	sbarrier.arrive $0xFFFF  }
0x270: {  	p0 =	sne.s32 s0, $0x0;
	s0 =	rddreg [dreg:$0x3]  }
0x271: {  	s0 =	sadd.s32 @!p0 $0x100000, s0  }
0x272: {  	[sflag:s0] =	ssyncadd.tile.s32 @!p0 $0x1;
	_ =	shalt  }
.Lfunc_end2:
_tile_overlayer_lowered:
.L_overlay_start_2:
0x273: {  	(tag) =	ssettag $0x2  }
0x274: {  	s0 =	rddreg [dreg:$0x0];
	s2 =	stileid.u32  }
0x275: {  	s1 =	rddreg [dreg:$0x1];
	p0 =	sne.s32 s2, $0x0  }
0x276: {  	s3 =	rddreg [dreg:$0x2];
	[bflag:$0x3] =	sbarrier.arrive $0xFFFF;
	s2 =	simm.s32 @!p0 $0x1C05  }
0x277: {  	[timem:s3], [sflag:s2] =	dma.local @!p0 [hbm:s0], s1  }
0x278: {  	s0 =	simm.s32 @!p0 $0x5  }
0x279: {  	_ =	swait.ge @!p0 [sflag:s0], s1  }
0x27a: {  	s1 =	ssub.s32 @!p0 $0x0, s1;
	[sflag:s0] =	ssyncset.done @!p0 $0x0  }
0x27b: {  	[sflag:s0] =	ssyncadd.s32 @!p0 s1  }
0x27c: {  	[bflag:$0x3] =	sbarrier.arrive $0xFFFF  }
0x27d: {  	_ =	shalt  }

</sc_bundles>
